<compile_context>
chip_gen: v7x
topology: tpu7x:2x2x1
jax: 0.10.2.dev20260603
libtpu: 0.0.44.dev20260713+nightly
codegen_flags: <defaults>
</compile_context>

<pallas_src>
import functools

import jax
import jax.numpy as jnp
from jax import lax
from jax.experimental import pallas as pl
from jax.experimental.pallas import tpu as pltpu
from jax.experimental.pallas import tpu_sc as plsc

L16 = 16


def _make_sc_kernel(B, L, D, V):
    info = plsc.get_sparse_core_info()
    NC, NS = info.num_cores, info.num_subcores
    NW = NC * NS
    assert B % NW == 0
    ROWS_PER_W = B // NW
    CB = 2
    NCHUNK = ROWS_PER_W // CB
    CROWS = CB * L
    WROWS = ROWS_PER_W * L
    SUBS = [128] * (CROWS // 128)
    if CROWS % 128:
        SUBS.append(CROWS % 128)

    mesh = plsc.VectorSubcoreMesh(core_axis_name="c", subcore_axis_name="s")

    @functools.partial(
        pl.kernel,
        mesh=mesh,
        compiler_params=pltpu.CompilerParams(use_tc_tiling_on_sc=False),
        out_type=jax.ShapeDtypeStruct((B, L, D), jnp.float32),
        scratch_types=[
            pltpu.VMEM((L, D), jnp.float32),
            pltpu.VMEM((WROWS,), jnp.int32),
            pltpu.VMEM((CROWS, D), jnp.float32),
            pltpu.VMEM((CROWS, D), jnp.float32),
            pltpu.SemaphoreType.DMA,
            pltpu.SemaphoreType.DMA,
            pltpu.SemaphoreType.DMA,
            pltpu.SemaphoreType.DMA,
        ],
    )
    def sc_kernel(idx_hbm, word_hbm, pos_hbm, out_hbm,
                  pos_v, idx_v, rows0, rows1, gsem0, gsem1, osem0, osem1):
        rows = (rows0, rows1)
        gsem = (gsem0, gsem1)
        osem = (osem0, osem1)
        wid = lax.axis_index("s") * NC + lax.axis_index("c")
        wbase = wid * WROWS
        pltpu.sync_copy(pos_hbm, pos_v)
        pltpu.sync_copy(idx_hbm.at[pl.ds(wbase, WROWS)], idx_v)

        def issue_gathers(g, p):
            off = 0
            for sz in SUBS:
                pltpu.async_copy(
                    word_hbm.at[idx_v.at[pl.ds(g * CROWS + off, sz)]],
                    rows[p].at[pl.ds(off, sz)],
                    gsem[p],
                )
                off += sz

        def wait_gathers(p):
            pltpu.make_async_copy(
                word_hbm.at[pl.ds(0, CROWS)], rows[p], gsem[p]
            ).wait()

        def wait_writeback(p):
            for rb in range(CB):
                pltpu.make_async_copy(
                    rows[p].at[pl.ds(rb * L, L)], out_hbm.at[0], osem[p]
                ).wait()

        def add_and_flush(g, p):
            def add_body(l, carry2):
                for c in range(D // L16):
                    pv = pos_v[l, pl.ds(c * L16, L16)]
                    for rb in range(CB):
                        plsc.addupdate(
                            rows[p].at[rb * L + l, pl.ds(c * L16, L16)], pv
                        )
                return carry2

            lax.fori_loop(0, L, add_body, 0)
            bb = wid * ROWS_PER_W + g * CB
            for rb in range(CB):
                pltpu.async_copy(
                    rows[p].at[pl.ds(rb * L, L)], out_hbm.at[bb + rb], osem[p]
                )

        issue_gathers(0, 0)

        def loop_body(j, carry):
            a = 2 * j
            @pl.when(j > 0)
            def _():
                wait_writeback(1)
            issue_gathers(a + 1, 1)
            wait_gathers(0)
            add_and_flush(a, 0)
            @pl.when(j < NCHUNK // 2 - 1)
            def _():
                wait_writeback(0)
                issue_gathers(a + 2, 0)
            wait_gathers(1)
            add_and_flush(a + 1, 1)
            return carry

        lax.fori_loop(0, NCHUNK // 2, loop_body, 0)
        wait_writeback(0)
        wait_writeback(1)

    return sc_kernel


def kernel(inputs, word_table, pos_table):
    B, L = inputs.shape
    V, D = word_table.shape
    idx = inputs.reshape(B * L).astype(jnp.int32)
    sc = _make_sc_kernel(B, L, D, V)
    return sc(idx, word_table, pos_table)

# --- scband reference (transcript-rebuilt; emitter-appended) ---
"""Pipeline reference for scband-position-embedding-fixed-weights-22883585753373 (READ-ONLY COPY).

The authoritative reference and input builder live on the scoring server;
editing this copy changes nothing except your own understanding.
"""

import jax, jax.numpy as jnp
import numpy as np

SEQUENCE_LENGTH = 200
VOCAB_SIZE = 100000
OUTPUT_DIM = 64
BATCH = 4096


def get_position_encoding(seq_len, d, n=10000):
    # Vectorized, numerically identical to the original python loop version.
    k = jnp.arange(seq_len, dtype=jnp.float64 if jax.config.jax_enable_x64 else jnp.float32)[:, None]
    i = jnp.arange(d // 2)[None, :]
    denominator = jnp.power(float(n), 2.0 * i / d)
    P = jnp.zeros((seq_len, d), dtype=jnp.float32)
    P = P.at[:, 0::2].set(jnp.sin(k / denominator).astype(jnp.float32))
    P = P.at[:, 1::2].set(jnp.cos(k / denominator).astype(jnp.float32))
    return P


def setup_inputs(seed: int = 0) -> dict:
    key = jax.random.key(seed)
    k1, = jax.random.split(key, 1)
    inputs = jax.random.randint(k1, (BATCH, SEQUENCE_LENGTH), 0, VOCAB_SIZE, dtype=jnp.int64 if jax.config.jax_enable_x64 else jnp.int32)
    word_table = get_position_encoding(VOCAB_SIZE, OUTPUT_DIM)
    pos_table = get_position_encoding(SEQUENCE_LENGTH, OUTPUT_DIM)
    return {"inputs": inputs, "word_table": word_table, "pos_table": pos_table}


def reference(inputs, word_table, pos_table):
    # position indices 0..L-1 over the last dim of inputs
    position_indices = jnp.arange(inputs.shape[-1])
    embedded_words = jnp.take(word_table, inputs, axis=0)          # [B, L, D] gather
    embedded_indices = jnp.take(pos_table, position_indices, axis=0)  # [L, D]
    return embedded_words + embedded_indices[None, :, :]

if __name__ == "__main__":
    import jax
    _d = setup_inputs()
    print(jax.jit(kernel)(*tuple(_d.values())))

</pallas_src>

<mosaic_0001>
#map = affine_map<(d0, d1) -> (0)>
#map1 = affine_map<(d0, d1) -> (0, 0)>
#map2 = affine_map<(d0, d1) -> (0, 0, 0)>
module attributes {stable_mosaic.version = 14 : i64} {
  func.func @sc_kernel(%arg0: i32, %arg1: i32, %arg2: memref<819200xi32, #tpu.memory_space<hbm>>, %arg3: memref<100000x64xf32, #tpu.memory_space<hbm>>, %arg4: memref<200x64xf32, #tpu.memory_space<hbm>>, %arg5: memref<4096x200x64xf32, #tpu.memory_space<hbm>>, %arg6: memref<200x64xf32, #tpu.memory_space<vmem>>, %arg7: memref<25600xi32, #tpu.memory_space<vmem>>, %arg8: memref<400x64xf32, #tpu.memory_space<vmem>>, %arg9: memref<400x64xf32, #tpu.memory_space<vmem>>, %arg10: memref<!tpu.dma_semaphore, #tpu.memory_space<semaphore_mem>>, %arg11: memref<!tpu.dma_semaphore, #tpu.memory_space<semaphore_mem>>, %arg12: memref<!tpu.dma_semaphore, #tpu.memory_space<semaphore_mem>>, %arg13: memref<!tpu.dma_semaphore, #tpu.memory_space<semaphore_mem>>) attributes {dimension_semantics = [#tpu.dimension_semantics<core_parallel>, #tpu.dimension_semantics<subcore_parallel>], iteration_bounds = array<i64: 2, 16>, scalar_prefetch = 0 : i64, scratch_operands = 8 : i64, tpu.core_type = #tpu.core_type<sc_vector_subcore>, window_params = [{transform_indices = #map}, {transform_indices = #map1}, {transform_indices = #map1}, {transform_indices = #map2}]} {
    %mul3A = arith.constant 2 : i32
    %mul3A_0 = arith.muli %arg1, %mul3A : i32
    %add3A = arith.addi %mul3A_0, %arg0 : i32
    %mul3A_1 = arith.constant 25600 : i32
    %mul3A_2 = arith.muli %add3A, %mul3A_1 : i32
    "tpu.region"() ({
      %run_scoped3A = tpu.sem_alloc : memref<!tpu.dma_semaphore, #tpu.memory_space<semaphore_mem>>
      tpu.enqueue_dma source(%arg4 : memref<200x64xf32, #tpu.memory_space<hbm>>) target(%arg6 : memref<200x64xf32, #tpu.memory_space<vmem>>) target_semaphore(%run_scoped3A : memref<!tpu.dma_semaphore, #tpu.memory_space<semaphore_mem>>)
      tpu.wait_dma2 semaphore(%run_scoped3A : memref<!tpu.dma_semaphore, #tpu.memory_space<semaphore_mem>>) src(%arg4 : memref<200x64xf32, #tpu.memory_space<hbm>>) dst(%arg6 : memref<200x64xf32, #tpu.memory_space<vmem>>)
      tpu.yield
    }) : () -> ()
    "tpu.region"() ({
      %run_scoped3A = tpu.sem_alloc : memref<!tpu.dma_semaphore, #tpu.memory_space<semaphore_mem>>
      %dma_start3A_98 = tpu.memref_slice %arg2[%mul3A_2] : memref<819200xi32, #tpu.memory_space<hbm>> -> memref<25600xi32, #tpu.memory_space<hbm>>
      %dma_start3A_99 = tpu.memref_slice %arg2[%mul3A_2] : memref<819200xi32, #tpu.memory_space<hbm>> -> memref<25600xi32, #tpu.memory_space<hbm>>
      tpu.enqueue_dma source(%dma_start3A_99 : memref<25600xi32, #tpu.memory_space<hbm>>) target(%arg7 : memref<25600xi32, #tpu.memory_space<vmem>>) target_semaphore(%run_scoped3A : memref<!tpu.dma_semaphore, #tpu.memory_space<semaphore_mem>>)
      %dma_wait3A_100 = tpu.memref_slice %arg2[%mul3A_2] : memref<819200xi32, #tpu.memory_space<hbm>> -> memref<25600xi32, #tpu.memory_space<hbm>>
      %dma_wait3A_101 = tpu.memref_slice %arg2[%mul3A_2] : memref<819200xi32, #tpu.memory_space<hbm>> -> memref<25600xi32, #tpu.memory_space<hbm>>
      tpu.wait_dma2 semaphore(%run_scoped3A : memref<!tpu.dma_semaphore, #tpu.memory_space<semaphore_mem>>) src(%dma_wait3A_101 : memref<25600xi32, #tpu.memory_space<hbm>>) dst(%arg7 : memref<25600xi32, #tpu.memory_space<vmem>>)
      tpu.yield
    }) : () -> ()
    %dma_start3A = arith.constant 0 : i32
    %dma_start3A_3 = arith.constant 0 : i32
    %dma_start3A_4 = tpu.memref_slice %arg8[%dma_start3A, %dma_start3A_3] : memref<400x64xf32, #tpu.memory_space<vmem>> -> memref<128x64xf32, #tpu.memory_space<vmem>>
    %dma_start3A_5 = arith.constant 0 : i32
    %dma_start3A_6 = tpu.memref_slice %arg7[%dma_start3A_5] : memref<25600xi32, #tpu.memory_space<vmem>> -> memref<128xi32, #tpu.memory_space<vmem>>
    %dma_start3A_7 = arith.constant 0 : i32
    %dma_start3A_8 = arith.constant 0 : i32
    %dma_start3A_9 = tpu.memref_slice %arg3[%dma_start3A_7, %dma_start3A_8] : memref<100000x64xf32, #tpu.memory_space<hbm>> -> memref<100000x64xf32, #tpu.memory_space<hbm>>
    tpu.enqueue_indirect_dma source(%dma_start3A_9 : memref<100000x64xf32, #tpu.memory_space<hbm>>) target(%dma_start3A_4 : memref<128x64xf32, #tpu.memory_space<vmem>>) offsets(%dma_start3A_6 : memref<128xi32, #tpu.memory_space<vmem>>) semaphore(%arg10 : memref<!tpu.dma_semaphore, #tpu.memory_space<semaphore_mem>>)
    %dma_start3A_10 = arith.constant 128 : i32
    %dma_start3A_11 = arith.constant 0 : i32
    %dma_start3A_12 = tpu.memref_slice %arg8[%dma_start3A_10, %dma_start3A_11] : memref<400x64xf32, #tpu.memory_space<vmem>> -> memref<128x64xf32, #tpu.memory_space<vmem>>
    %dma_start3A_13 = arith.constant 128 : i32
    %dma_start3A_14 = tpu.memref_slice %arg7[%dma_start3A_13] : memref<25600xi32, #tpu.memory_space<vmem>> -> memref<128xi32, #tpu.memory_space<vmem>>
    %dma_start3A_15 = arith.constant 0 : i32
    %dma_start3A_16 = arith.constant 0 : i32
    %dma_start3A_17 = tpu.memref_slice %arg3[%dma_start3A_15, %dma_start3A_16] : memref<100000x64xf32, #tpu.memory_space<hbm>> -> memref<100000x64xf32, #tpu.memory_space<hbm>>
    tpu.enqueue_indirect_dma source(%dma_start3A_17 : memref<100000x64xf32, #tpu.memory_space<hbm>>) target(%dma_start3A_12 : memref<128x64xf32, #tpu.memory_space<vmem>>) offsets(%dma_start3A_14 : memref<128xi32, #tpu.memory_space<vmem>>) semaphore(%arg10 : memref<!tpu.dma_semaphore, #tpu.memory_space<semaphore_mem>>)
    %dma_start3A_18 = arith.constant 256 : i32
    %dma_start3A_19 = arith.constant 0 : i32
    %dma_start3A_20 = tpu.memref_slice %arg8[%dma_start3A_18, %dma_start3A_19] : memref<400x64xf32, #tpu.memory_space<vmem>> -> memref<128x64xf32, #tpu.memory_space<vmem>>
    %dma_start3A_21 = arith.constant 256 : i32
    %dma_start3A_22 = tpu.memref_slice %arg7[%dma_start3A_21] : memref<25600xi32, #tpu.memory_space<vmem>> -> memref<128xi32, #tpu.memory_space<vmem>>
    %dma_start3A_23 = arith.constant 0 : i32
    %dma_start3A_24 = arith.constant 0 : i32
    %dma_start3A_25 = tpu.memref_slice %arg3[%dma_start3A_23, %dma_start3A_24] : memref<100000x64xf32, #tpu.memory_space<hbm>> -> memref<100000x64xf32, #tpu.memory_space<hbm>>
    tpu.enqueue_indirect_dma source(%dma_start3A_25 : memref<100000x64xf32, #tpu.memory_space<hbm>>) target(%dma_start3A_20 : memref<128x64xf32, #tpu.memory_space<vmem>>) offsets(%dma_start3A_22 : memref<128xi32, #tpu.memory_space<vmem>>) semaphore(%arg10 : memref<!tpu.dma_semaphore, #tpu.memory_space<semaphore_mem>>)
    %dma_start3A_26 = arith.constant 384 : i32
    %dma_start3A_27 = arith.constant 0 : i32
    %dma_start3A_28 = tpu.memref_slice %arg8[%dma_start3A_26, %dma_start3A_27] : memref<400x64xf32, #tpu.memory_space<vmem>> -> memref<16x64xf32, #tpu.memory_space<vmem>>
    %dma_start3A_29 = arith.constant 384 : i32
    %dma_start3A_30 = tpu.memref_slice %arg7[%dma_start3A_29] : memref<25600xi32, #tpu.memory_space<vmem>> -> memref<16xi32, #tpu.memory_space<vmem>>
    %dma_start3A_31 = arith.constant 0 : i32
    %dma_start3A_32 = arith.constant 0 : i32
    %dma_start3A_33 = tpu.memref_slice %arg3[%dma_start3A_31, %dma_start3A_32] : memref<100000x64xf32, #tpu.memory_space<hbm>> -> memref<100000x64xf32, #tpu.memory_space<hbm>>
    tpu.enqueue_indirect_dma source(%dma_start3A_33 : memref<100000x64xf32, #tpu.memory_space<hbm>>) target(%dma_start3A_28 : memref<16x64xf32, #tpu.memory_space<vmem>>) offsets(%dma_start3A_30 : memref<16xi32, #tpu.memory_space<vmem>>) semaphore(%arg10 : memref<!tpu.dma_semaphore, #tpu.memory_space<semaphore_mem>>)
    %scan3A = arith.constant 0 : i32
    %scan3A_34 = arith.constant 0 : i32
    %scan3A_35 = arith.constant 32 : i32
    %scan3A_36 = arith.addi %scan3A_34, %scan3A_35 : i32
    %scan3A_37 = arith.constant 1 : i32
    scf.for %scan3A_98 = %scan3A_34 to %scan3A_36 step %scan3A_37  : i32 {
      %mul3A_99 = arith.constant 2 : i32
      %mul3A_100 = arith.muli %mul3A_99, %scan3A_98 : i32
      %gt3A = arith.constant 0 : i32
      %gt3A_101 = arith.cmpi sgt, %scan3A_98, %gt3A : i32
      %convert_element_type3A = arith.extui %gt3A_101 : i1 to i32
      %cond3A = arith.constant 0 : i32
      %cond3A_102 = arith.cmpi ne, %convert_element_type3A, %cond3A : i32
      scf.if %cond3A_102 {
        %dma_wait3A_253 = arith.constant 0 : i32
        %dma_wait3A_254 = arith.constant 0 : i32
        %dma_wait3A_255 = arith.constant 0 : i32
        %dma_wait3A_256 = tpu.memref_slice %arg9[%dma_wait3A_254, %dma_wait3A_255] : memref<400x64xf32, #tpu.memory_space<vmem>> -> memref<200x64xf32, #tpu.memory_space<vmem>>
        %dma_wait3A_257 = arith.constant 0 : i32
        %dma_wait3A_258 = arith.constant 0 : i32
        %dma_wait3A_259 = tpu.memref_slice %arg5[%dma_wait3A_253, %dma_wait3A_257, %dma_wait3A_258] : memref<4096x200x64xf32, #tpu.memory_space<hbm>> -> memref<1x200x64xf32, #tpu.memory_space<hbm>>
        %dma_wait3A_260 = tpu.memref_squeeze %dma_wait3A_259 : memref<1x200x64xf32, #tpu.memory_space<hbm>> -> memref<200x64xf32, #tpu.memory_space<hbm>>
        %dma_wait3A_261 = arith.constant 0 : i32
        %dma_wait3A_262 = arith.constant 0 : i32
        %dma_wait3A_263 = tpu.memref_slice %arg5[%dma_wait3A_253, %dma_wait3A_261, %dma_wait3A_262] : memref<4096x200x64xf32, #tpu.memory_space<hbm>> -> memref<1x200x64xf32, #tpu.memory_space<hbm>>
        %dma_wait3A_264 = tpu.memref_squeeze %dma_wait3A_263 : memref<1x200x64xf32, #tpu.memory_space<hbm>> -> memref<200x64xf32, #tpu.memory_space<hbm>>
        %dma_wait3A_265 = arith.constant 0 : i32
        %dma_wait3A_266 = arith.constant 0 : i32
        %dma_wait3A_267 = tpu.memref_slice %arg9[%dma_wait3A_265, %dma_wait3A_266] : memref<400x64xf32, #tpu.memory_space<vmem>> -> memref<200x64xf32, #tpu.memory_space<vmem>>
        tpu.wait_dma2 semaphore(%arg13 : memref<!tpu.dma_semaphore, #tpu.memory_space<semaphore_mem>>) src(%dma_wait3A_267 : memref<200x64xf32, #tpu.memory_space<vmem>>) dst(%dma_wait3A_264 : memref<200x64xf32, #tpu.memory_space<hbm>>)
        %dma_wait3A_268 = arith.constant 0 : i32
        %dma_wait3A_269 = arith.constant 200 : i32
        %dma_wait3A_270 = arith.constant 0 : i32
        %dma_wait3A_271 = tpu.memref_slice %arg9[%dma_wait3A_269, %dma_wait3A_270] : memref<400x64xf32, #tpu.memory_space<vmem>> -> memref<200x64xf32, #tpu.memory_space<vmem>>
        %dma_wait3A_272 = arith.constant 0 : i32
        %dma_wait3A_273 = arith.constant 0 : i32
        %dma_wait3A_274 = tpu.memref_slice %arg5[%dma_wait3A_268, %dma_wait3A_272, %dma_wait3A_273] : memref<4096x200x64xf32, #tpu.memory_space<hbm>> -> memref<1x200x64xf32, #tpu.memory_space<hbm>>
        %dma_wait3A_275 = tpu.memref_squeeze %dma_wait3A_274 : memref<1x200x64xf32, #tpu.memory_space<hbm>> -> memref<200x64xf32, #tpu.memory_space<hbm>>
        %dma_wait3A_276 = arith.constant 0 : i32
        %dma_wait3A_277 = arith.constant 0 : i32
        %dma_wait3A_278 = tpu.memref_slice %arg5[%dma_wait3A_268, %dma_wait3A_276, %dma_wait3A_277] : memref<4096x200x64xf32, #tpu.memory_space<hbm>> -> memref<1x200x64xf32, #tpu.memory_space<hbm>>
        %dma_wait3A_279 = tpu.memref_squeeze %dma_wait3A_278 : memref<1x200x64xf32, #tpu.memory_space<hbm>> -> memref<200x64xf32, #tpu.memory_space<hbm>>
        %dma_wait3A_280 = arith.constant 200 : i32
        %dma_wait3A_281 = arith.constant 0 : i32
        %dma_wait3A_282 = tpu.memref_slice %arg9[%dma_wait3A_280, %dma_wait3A_281] : memref<400x64xf32, #tpu.memory_space<vmem>> -> memref<200x64xf32, #tpu.memory_space<vmem>>
        tpu.wait_dma2 semaphore(%arg13 : memref<!tpu.dma_semaphore, #tpu.memory_space<semaphore_mem>>) src(%dma_wait3A_282 : memref<200x64xf32, #tpu.memory_space<vmem>>) dst(%dma_wait3A_279 : memref<200x64xf32, #tpu.memory_space<hbm>>)
      } else {
      }
      %add3A_103 = arith.constant 1 : i32
      %add3A_104 = arith.addi %mul3A_100, %add3A_103 : i32
      %mul3A_105 = arith.constant 400 : i32
      %mul3A_106 = arith.muli %add3A_104, %mul3A_105 : i32
      %add3A_107 = arith.constant 0 : i32
      %add3A_108 = arith.addi %mul3A_106, %add3A_107 : i32
      %dma_start3A_109 = arith.constant 0 : i32
      %dma_start3A_110 = arith.constant 0 : i32
      %dma_start3A_111 = tpu.memref_slice %arg9[%dma_start3A_109, %dma_start3A_110] : memref<400x64xf32, #tpu.memory_space<vmem>> -> memref<128x64xf32, #tpu.memory_space<vmem>>
      %dma_start3A_112 = tpu.memref_slice %arg7[%add3A_108] : memref<25600xi32, #tpu.memory_space<vmem>> -> memref<128xi32, #tpu.memory_space<vmem>>
      %dma_start3A_113 = arith.constant 0 : i32
      %dma_start3A_114 = arith.constant 0 : i32
      %dma_start3A_115 = tpu.memref_slice %arg3[%dma_start3A_113, %dma_start3A_114] : memref<100000x64xf32, #tpu.memory_space<hbm>> -> memref<100000x64xf32, #tpu.memory_space<hbm>>
      tpu.enqueue_indirect_dma source(%dma_start3A_115 : memref<100000x64xf32, #tpu.memory_space<hbm>>) target(%dma_start3A_111 : memref<128x64xf32, #tpu.memory_space<vmem>>) offsets(%dma_start3A_112 : memref<128xi32, #tpu.memory_space<vmem>>) semaphore(%arg11 : memref<!tpu.dma_semaphore, #tpu.memory_space<semaphore_mem>>)
      %mul3A_116 = arith.constant 400 : i32
      %mul3A_117 = arith.muli %add3A_104, %mul3A_116 : i32
      %add3A_118 = arith.constant 128 : i32
      %add3A_119 = arith.addi %mul3A_117, %add3A_118 : i32
      %dma_start3A_120 = arith.constant 128 : i32
      %dma_start3A_121 = arith.constant 0 : i32
      %dma_start3A_122 = tpu.memref_slice %arg9[%dma_start3A_120, %dma_start3A_121] : memref<400x64xf32, #tpu.memory_space<vmem>> -> memref<128x64xf32, #tpu.memory_space<vmem>>
      %dma_start3A_123 = tpu.memref_slice %arg7[%add3A_119] : memref<25600xi32, #tpu.memory_space<vmem>> -> memref<128xi32, #tpu.memory_space<vmem>>
      %dma_start3A_124 = arith.constant 0 : i32
      %dma_start3A_125 = arith.constant 0 : i32
      %dma_start3A_126 = tpu.memref_slice %arg3[%dma_start3A_124, %dma_start3A_125] : memref<100000x64xf32, #tpu.memory_space<hbm>> -> memref<100000x64xf32, #tpu.memory_space<hbm>>
      tpu.enqueue_indirect_dma source(%dma_start3A_126 : memref<100000x64xf32, #tpu.memory_space<hbm>>) target(%dma_start3A_122 : memref<128x64xf32, #tpu.memory_space<vmem>>) offsets(%dma_start3A_123 : memref<128xi32, #tpu.memory_space<vmem>>) semaphore(%arg11 : memref<!tpu.dma_semaphore, #tpu.memory_space<semaphore_mem>>)
      %mul3A_127 = arith.constant 400 : i32
      %mul3A_128 = arith.muli %add3A_104, %mul3A_127 : i32
      %add3A_129 = arith.constant 256 : i32
      %add3A_130 = arith.addi %mul3A_128, %add3A_129 : i32
      %dma_start3A_131 = arith.constant 256 : i32
      %dma_start3A_132 = arith.constant 0 : i32
      %dma_start3A_133 = tpu.memref_slice %arg9[%dma_start3A_131, %dma_start3A_132] : memref<400x64xf32, #tpu.memory_space<vmem>> -> memref<128x64xf32, #tpu.memory_space<vmem>>
      %dma_start3A_134 = tpu.memref_slice %arg7[%add3A_130] : memref<25600xi32, #tpu.memory_space<vmem>> -> memref<128xi32, #tpu.memory_space<vmem>>
      %dma_start3A_135 = arith.constant 0 : i32
      %dma_start3A_136 = arith.constant 0 : i32
      %dma_start3A_137 = tpu.memref_slice %arg3[%dma_start3A_135, %dma_start3A_136] : memref<100000x64xf32, #tpu.memory_space<hbm>> -> memref<100000x64xf32, #tpu.memory_space<hbm>>
      tpu.enqueue_indirect_dma source(%dma_start3A_137 : memref<100000x64xf32, #tpu.memory_space<hbm>>) target(%dma_start3A_133 : memref<128x64xf32, #tpu.memory_space<vmem>>) offsets(%dma_start3A_134 : memref<128xi32, #tpu.memory_space<vmem>>) semaphore(%arg11 : memref<!tpu.dma_semaphore, #tpu.memory_space<semaphore_mem>>)
      %mul3A_138 = arith.constant 400 : i32
      %mul3A_139 = arith.muli %add3A_104, %mul3A_138 : i32
      %add3A_140 = arith.constant 384 : i32
      %add3A_141 = arith.addi %mul3A_139, %add3A_140 : i32
      %dma_start3A_142 = arith.constant 384 : i32
      %dma_start3A_143 = arith.constant 0 : i32
      %dma_start3A_144 = tpu.memref_slice %arg9[%dma_start3A_142, %dma_start3A_143] : memref<400x64xf32, #tpu.memory_space<vmem>> -> memref<16x64xf32, #tpu.memory_space<vmem>>
      %dma_start3A_145 = tpu.memref_slice %arg7[%add3A_141] : memref<25600xi32, #tpu.memory_space<vmem>> -> memref<16xi32, #tpu.memory_space<vmem>>
      %dma_start3A_146 = arith.constant 0 : i32
      %dma_start3A_147 = arith.constant 0 : i32
      %dma_start3A_148 = tpu.memref_slice %arg3[%dma_start3A_146, %dma_start3A_147] : memref<100000x64xf32, #tpu.memory_space<hbm>> -> memref<100000x64xf32, #tpu.memory_space<hbm>>
      tpu.enqueue_indirect_dma source(%dma_start3A_148 : memref<100000x64xf32, #tpu.memory_space<hbm>>) target(%dma_start3A_144 : memref<16x64xf32, #tpu.memory_space<vmem>>) offsets(%dma_start3A_145 : memref<16xi32, #tpu.memory_space<vmem>>) semaphore(%arg11 : memref<!tpu.dma_semaphore, #tpu.memory_space<semaphore_mem>>)
      %dma_wait3A_149 = arith.constant 0 : i32
      %dma_wait3A_150 = arith.constant 0 : i32
      %dma_wait3A_151 = tpu.memref_slice %arg3[%dma_wait3A_149, %dma_wait3A_150] : memref<100000x64xf32, #tpu.memory_space<hbm>> -> memref<400x64xf32, #tpu.memory_space<hbm>>
      %dma_wait3A_152 = arith.constant 0 : i32
      %dma_wait3A_153 = arith.constant 0 : i32
      %dma_wait3A_154 = tpu.memref_slice %arg3[%dma_wait3A_152, %dma_wait3A_153] : memref<100000x64xf32, #tpu.memory_space<hbm>> -> memref<400x64xf32, #tpu.memory_space<hbm>>
      tpu.wait_dma2 semaphore(%arg10 : memref<!tpu.dma_semaphore, #tpu.memory_space<semaphore_mem>>) src(%dma_wait3A_154 : memref<400x64xf32, #tpu.memory_space<hbm>>) dst(%arg8 : memref<400x64xf32, #tpu.memory_space<vmem>>)
      %scan3A_155 = arith.constant 0 : i32
      %scan3A_156 = arith.constant 0 : i32
      %scan3A_157 = arith.constant 200 : i32
      %scan3A_158 = arith.addi %scan3A_156, %scan3A_157 : i32
      %scan3A_159 = arith.constant 1 : i32
      scf.for %scan3A_253 = %scan3A_156 to %scan3A_158 step %scan3A_159  : i32 {
        %get3A = arith.index_cast %scan3A_253 : i32 to index
        %get3A_254 = arith.constant 0 : index
        %get3A_255 = tpu.vector_load %arg6[%get3A, %get3A_254] {strides = array<i32>} : memref<200x64xf32, #tpu.memory_space<vmem>>, vector<1x16xf32>,
        %get3A_256 = vector.shape_cast %get3A_255 : vector<1x16xf32> to vector<16xf32>
        %add3A_257 = arith.constant 0 : i32
        %add3A_258 = arith.addi %add3A_257, %scan3A_253 : i32
        %swap3A = arith.index_cast %add3A_258 : i32 to index
        %swap3A_259 = arith.constant 0 : index
        %swap3A_260 = tpu.vector_load %arg8[%swap3A, %swap3A_259] {strides = array<i32>} : memref<400x64xf32, #tpu.memory_space<vmem>>, vector<1x16xf32>,
        %swap3A_261 = vector.shape_cast %swap3A_260 : vector<1x16xf32> to vector<16xf32>
        %swap3A_262 = vector.shape_cast %get3A_256 : vector<16xf32> to vector<1x16xf32>
        tpu.vector_store %arg8[%swap3A, %swap3A_259], %swap3A_262 {add = true, strides = array<i32>} : memref<400x64xf32, #tpu.memory_space<vmem>>, vector<1x16xf32>,
        %add3A_263 = arith.constant 200 : i32
        %add3A_264 = arith.addi %add3A_263, %scan3A_253 : i32
        %swap3A_265 = arith.index_cast %add3A_264 : i32 to index
        %swap3A_266 = arith.constant 0 : index
        %swap3A_267 = tpu.vector_load %arg8[%swap3A_265, %swap3A_266] {strides = array<i32>} : memref<400x64xf32, #tpu.memory_space<vmem>>, vector<1x16xf32>,
        %swap3A_268 = vector.shape_cast %swap3A_267 : vector<1x16xf32> to vector<16xf32>
        %swap3A_269 = vector.shape_cast %get3A_256 : vector<16xf32> to vector<1x16xf32>
        tpu.vector_store %arg8[%swap3A_265, %swap3A_266], %swap3A_269 {add = true, strides = array<i32>} : memref<400x64xf32, #tpu.memory_space<vmem>>, vector<1x16xf32>,
        %get3A_270 = arith.index_cast %scan3A_253 : i32 to index
        %get3A_271 = arith.constant 16 : index
        %get3A_272 = tpu.vector_load %arg6[%get3A_270, %get3A_271] {strides = array<i32>} : memref<200x64xf32, #tpu.memory_space<vmem>>, vector<1x16xf32>,
        %get3A_273 = vector.shape_cast %get3A_272 : vector<1x16xf32> to vector<16xf32>
        %add3A_274 = arith.constant 0 : i32
        %add3A_275 = arith.addi %add3A_274, %scan3A_253 : i32
        %swap3A_276 = arith.index_cast %add3A_275 : i32 to index
        %swap3A_277 = arith.constant 16 : index
        %swap3A_278 = tpu.vector_load %arg8[%swap3A_276, %swap3A_277] {strides = array<i32>} : memref<400x64xf32, #tpu.memory_space<vmem>>, vector<1x16xf32>,
        %swap3A_279 = vector.shape_cast %swap3A_278 : vector<1x16xf32> to vector<16xf32>
        %swap3A_280 = vector.shape_cast %get3A_273 : vector<16xf32> to vector<1x16xf32>
        tpu.vector_store %arg8[%swap3A_276, %swap3A_277], %swap3A_280 {add = true, strides = array<i32>} : memref<400x64xf32, #tpu.memory_space<vmem>>, vector<1x16xf32>,
        %add3A_281 = arith.constant 200 : i32
        %add3A_282 = arith.addi %add3A_281, %scan3A_253 : i32
        %swap3A_283 = arith.index_cast %add3A_282 : i32 to index
        %swap3A_284 = arith.constant 16 : index
        %swap3A_285 = tpu.vector_load %arg8[%swap3A_283, %swap3A_284] {strides = array<i32>} : memref<400x64xf32, #tpu.memory_space<vmem>>, vector<1x16xf32>,
        %swap3A_286 = vector.shape_cast %swap3A_285 : vector<1x16xf32> to vector<16xf32>
        %swap3A_287 = vector.shape_cast %get3A_273 : vector<16xf32> to vector<1x16xf32>
        tpu.vector_store %arg8[%swap3A_283, %swap3A_284], %swap3A_287 {add = true, strides = array<i32>} : memref<400x64xf32, #tpu.memory_space<vmem>>, vector<1x16xf32>,
        %get3A_288 = arith.index_cast %scan3A_253 : i32 to index
        %get3A_289 = arith.constant 32 : index
        %get3A_290 = tpu.vector_load %arg6[%get3A_288, %get3A_289] {strides = array<i32>} : memref<200x64xf32, #tpu.memory_space<vmem>>, vector<1x16xf32>,
        %get3A_291 = vector.shape_cast %get3A_290 : vector<1x16xf32> to vector<16xf32>
        %add3A_292 = arith.constant 0 : i32
        %add3A_293 = arith.addi %add3A_292, %scan3A_253 : i32
        %swap3A_294 = arith.index_cast %add3A_293 : i32 to index
        %swap3A_295 = arith.constant 32 : index
        %swap3A_296 = tpu.vector_load %arg8[%swap3A_294, %swap3A_295] {strides = array<i32>} : memref<400x64xf32, #tpu.memory_space<vmem>>, vector<1x16xf32>,
        %swap3A_297 = vector.shape_cast %swap3A_296 : vector<1x16xf32> to vector<16xf32>
        %swap3A_298 = vector.shape_cast %get3A_291 : vector<16xf32> to vector<1x16xf32>
        tpu.vector_store %arg8[%swap3A_294, %swap3A_295], %swap3A_298 {add = true, strides = array<i32>} : memref<400x64xf32, #tpu.memory_space<vmem>>, vector<1x16xf32>,
        %add3A_299 = arith.constant 200 : i32
        %add3A_300 = arith.addi %add3A_299, %scan3A_253 : i32
        %swap3A_301 = arith.index_cast %add3A_300 : i32 to index
        %swap3A_302 = arith.constant 32 : index
        %swap3A_303 = tpu.vector_load %arg8[%swap3A_301, %swap3A_302] {strides = array<i32>} : memref<400x64xf32, #tpu.memory_space<vmem>>, vector<1x16xf32>,
        %swap3A_304 = vector.shape_cast %swap3A_303 : vector<1x16xf32> to vector<16xf32>
        %swap3A_305 = vector.shape_cast %get3A_291 : vector<16xf32> to vector<1x16xf32>
        tpu.vector_store %arg8[%swap3A_301, %swap3A_302], %swap3A_305 {add = true, strides = array<i32>} : memref<400x64xf32, #tpu.memory_space<vmem>>, vector<1x16xf32>,
        %get3A_306 = arith.index_cast %scan3A_253 : i32 to index
        %get3A_307 = arith.constant 48 : index
        %get3A_308 = tpu.vector_load %arg6[%get3A_306, %get3A_307] {strides = array<i32>} : memref<200x64xf32, #tpu.memory_space<vmem>>, vector<1x16xf32>,
        %get3A_309 = vector.shape_cast %get3A_308 : vector<1x16xf32> to vector<16xf32>
        %add3A_310 = arith.constant 0 : i32
        %add3A_311 = arith.addi %add3A_310, %scan3A_253 : i32
        %swap3A_312 = arith.index_cast %add3A_311 : i32 to index
        %swap3A_313 = arith.constant 48 : index
        %swap3A_314 = tpu.vector_load %arg8[%swap3A_312, %swap3A_313] {strides = array<i32>} : memref<400x64xf32, #tpu.memory_space<vmem>>, vector<1x16xf32>,
        %swap3A_315 = vector.shape_cast %swap3A_314 : vector<1x16xf32> to vector<16xf32>
        %swap3A_316 = vector.shape_cast %get3A_309 : vector<16xf32> to vector<1x16xf32>
        tpu.vector_store %arg8[%swap3A_312, %swap3A_313], %swap3A_316 {add = true, strides = array<i32>} : memref<400x64xf32, #tpu.memory_space<vmem>>, vector<1x16xf32>,
        %add3A_317 = arith.constant 200 : i32
        %add3A_318 = arith.addi %add3A_317, %scan3A_253 : i32
        %swap3A_319 = arith.index_cast %add3A_318 : i32 to index
        %swap3A_320 = arith.constant 48 : index
        %swap3A_321 = tpu.vector_load %arg8[%swap3A_319, %swap3A_320] {strides = array<i32>} : memref<400x64xf32, #tpu.memory_space<vmem>>, vector<1x16xf32>,
        %swap3A_322 = vector.shape_cast %swap3A_321 : vector<1x16xf32> to vector<16xf32>
        %swap3A_323 = vector.shape_cast %get3A_309 : vector<16xf32> to vector<1x16xf32>
        tpu.vector_store %arg8[%swap3A_319, %swap3A_320], %swap3A_323 {add = true, strides = array<i32>} : memref<400x64xf32, #tpu.memory_space<vmem>>, vector<1x16xf32>,
      }
      %scan3A_160 = arith.constant 200 : i32
      %mul3A_161 = arith.constant 128 : i32
      %mul3A_162 = arith.muli %add3A, %mul3A_161 : i32
      %mul3A_163 = arith.constant 2 : i32
      %mul3A_164 = arith.muli %mul3A_100, %mul3A_163 : i32
      %add3A_165 = arith.addi %mul3A_162, %mul3A_164 : i32
      %add3A_166 = arith.constant 0 : i32
      %add3A_167 = arith.addi %add3A_165, %add3A_166 : i32
      %dma_start3A_168 = arith.constant 0 : i32
      %dma_start3A_169 = arith.constant 0 : i32
      %dma_start3A_170 = tpu.memref_slice %arg8[%dma_start3A_168, %dma_start3A_169] : memref<400x64xf32, #tpu.memory_space<vmem>> -> memref<200x64xf32, #tpu.memory_space<vmem>>
      %dma_start3A_171 = arith.constant 0 : i32
      %dma_start3A_172 = arith.constant 0 : i32
      %dma_start3A_173 = tpu.memref_slice %arg5[%add3A_167, %dma_start3A_171, %dma_start3A_172] : memref<4096x200x64xf32, #tpu.memory_space<hbm>> -> memref<1x200x64xf32, #tpu.memory_space<hbm>>
      %dma_start3A_174 = tpu.memref_squeeze %dma_start3A_173 : memref<1x200x64xf32, #tpu.memory_space<hbm>> -> memref<200x64xf32, #tpu.memory_space<hbm>>
      %dma_start3A_175 = arith.constant 0 : i32
      %dma_start3A_176 = arith.constant 0 : i32
      %dma_start3A_177 = tpu.memref_slice %arg5[%add3A_167, %dma_start3A_175, %dma_start3A_176] : memref<4096x200x64xf32, #tpu.memory_space<hbm>> -> memref<1x200x64xf32, #tpu.memory_space<hbm>>
      %dma_start3A_178 = tpu.memref_squeeze %dma_start3A_177 : memref<1x200x64xf32, #tpu.memory_space<hbm>> -> memref<200x64xf32, #tpu.memory_space<hbm>>
      %dma_start3A_179 = arith.constant 0 : i32
      %dma_start3A_180 = arith.constant 0 : i32
      %dma_start3A_181 = tpu.memref_slice %arg8[%dma_start3A_179, %dma_start3A_180] : memref<400x64xf32, #tpu.memory_space<vmem>> -> memref<200x64xf32, #tpu.memory_space<vmem>>
      tpu.enqueue_dma source(%dma_start3A_181 : memref<200x64xf32, #tpu.memory_space<vmem>>) target(%dma_start3A_178 : memref<200x64xf32, #tpu.memory_space<hbm>>) target_semaphore(%arg12 : memref<!tpu.dma_semaphore, #tpu.memory_space<semaphore_mem>>)
      %add3A_182 = arith.constant 1 : i32
      %add3A_183 = arith.addi %add3A_165, %add3A_182 : i32
      %dma_start3A_184 = arith.constant 200 : i32
      %dma_start3A_185 = arith.constant 0 : i32
      %dma_start3A_186 = tpu.memref_slice %arg8[%dma_start3A_184, %dma_start3A_185] : memref<400x64xf32, #tpu.memory_space<vmem>> -> memref<200x64xf32, #tpu.memory_space<vmem>>
      %dma_start3A_187 = arith.constant 0 : i32
      %dma_start3A_188 = arith.constant 0 : i32
      %dma_start3A_189 = tpu.memref_slice %arg5[%add3A_183, %dma_start3A_187, %dma_start3A_188] : memref<4096x200x64xf32, #tpu.memory_space<hbm>> -> memref<1x200x64xf32, #tpu.memory_space<hbm>>
      %dma_start3A_190 = tpu.memref_squeeze %dma_start3A_189 : memref<1x200x64xf32, #tpu.memory_space<hbm>> -> memref<200x64xf32, #tpu.memory_space<hbm>>
      %dma_start3A_191 = arith.constant 0 : i32
      %dma_start3A_192 = arith.constant 0 : i32
      %dma_start3A_193 = tpu.memref_slice %arg5[%add3A_183, %dma_start3A_191, %dma_start3A_192] : memref<4096x200x64xf32, #tpu.memory_space<hbm>> -> memref<1x200x64xf32, #tpu.memory_space<hbm>>
      %dma_start3A_194 = tpu.memref_squeeze %dma_start3A_193 : memref<1x200x64xf32, #tpu.memory_space<hbm>> -> memref<200x64xf32, #tpu.memory_space<hbm>>
      %dma_start3A_195 = arith.constant 200 : i32
      %dma_start3A_196 = arith.constant 0 : i32
      %dma_start3A_197 = tpu.memref_slice %arg8[%dma_start3A_195, %dma_start3A_196] : memref<400x64xf32, #tpu.memory_space<vmem>> -> memref<200x64xf32, #tpu.memory_space<vmem>>
      tpu.enqueue_dma source(%dma_start3A_197 : memref<200x64xf32, #tpu.memory_space<vmem>>) target(%dma_start3A_194 : memref<200x64xf32, #tpu.memory_space<hbm>>) target_semaphore(%arg12 : memref<!tpu.dma_semaphore, #tpu.memory_space<semaphore_mem>>)
      %lt3A = arith.constant 31 : i32
      %lt3A_198 = arith.cmpi slt, %scan3A_98, %lt3A : i32
      %convert_element_type3A_199 = arith.extui %lt3A_198 : i1 to i32
      %cond3A_200 = arith.constant 0 : i32
      %cond3A_201 = arith.cmpi ne, %convert_element_type3A_199, %cond3A_200 : i32
      scf.if %cond3A_201 {
        %dma_wait3A_253 = arith.constant 0 : i32
        %dma_wait3A_254 = arith.constant 0 : i32
        %dma_wait3A_255 = arith.constant 0 : i32
        %dma_wait3A_256 = tpu.memref_slice %arg8[%dma_wait3A_254, %dma_wait3A_255] : memref<400x64xf32, #tpu.memory_space<vmem>> -> memref<200x64xf32, #tpu.memory_space<vmem>>
        %dma_wait3A_257 = arith.constant 0 : i32
        %dma_wait3A_258 = arith.constant 0 : i32
        %dma_wait3A_259 = tpu.memref_slice %arg5[%dma_wait3A_253, %dma_wait3A_257, %dma_wait3A_258] : memref<4096x200x64xf32, #tpu.memory_space<hbm>> -> memref<1x200x64xf32, #tpu.memory_space<hbm>>
        %dma_wait3A_260 = tpu.memref_squeeze %dma_wait3A_259 : memref<1x200x64xf32, #tpu.memory_space<hbm>> -> memref<200x64xf32, #tpu.memory_space<hbm>>
        %dma_wait3A_261 = arith.constant 0 : i32
        %dma_wait3A_262 = arith.constant 0 : i32
        %dma_wait3A_263 = tpu.memref_slice %arg5[%dma_wait3A_253, %dma_wait3A_261, %dma_wait3A_262] : memref<4096x200x64xf32, #tpu.memory_space<hbm>> -> memref<1x200x64xf32, #tpu.memory_space<hbm>>
        %dma_wait3A_264 = tpu.memref_squeeze %dma_wait3A_263 : memref<1x200x64xf32, #tpu.memory_space<hbm>> -> memref<200x64xf32, #tpu.memory_space<hbm>>
        %dma_wait3A_265 = arith.constant 0 : i32
        %dma_wait3A_266 = arith.constant 0 : i32
        %dma_wait3A_267 = tpu.memref_slice %arg8[%dma_wait3A_265, %dma_wait3A_266] : memref<400x64xf32, #tpu.memory_space<vmem>> -> memref<200x64xf32, #tpu.memory_space<vmem>>
        tpu.wait_dma2 semaphore(%arg12 : memref<!tpu.dma_semaphore, #tpu.memory_space<semaphore_mem>>) src(%dma_wait3A_267 : memref<200x64xf32, #tpu.memory_space<vmem>>) dst(%dma_wait3A_264 : memref<200x64xf32, #tpu.memory_space<hbm>>)
        %dma_wait3A_268 = arith.constant 0 : i32
        %dma_wait3A_269 = arith.constant 200 : i32
        %dma_wait3A_270 = arith.constant 0 : i32
        %dma_wait3A_271 = tpu.memref_slice %arg8[%dma_wait3A_269, %dma_wait3A_270] : memref<400x64xf32, #tpu.memory_space<vmem>> -> memref<200x64xf32, #tpu.memory_space<vmem>>
        %dma_wait3A_272 = arith.constant 0 : i32
        %dma_wait3A_273 = arith.constant 0 : i32
        %dma_wait3A_274 = tpu.memref_slice %arg5[%dma_wait3A_268, %dma_wait3A_272, %dma_wait3A_273] : memref<4096x200x64xf32, #tpu.memory_space<hbm>> -> memref<1x200x64xf32, #tpu.memory_space<hbm>>
        %dma_wait3A_275 = tpu.memref_squeeze %dma_wait3A_274 : memref<1x200x64xf32, #tpu.memory_space<hbm>> -> memref<200x64xf32, #tpu.memory_space<hbm>>
        %dma_wait3A_276 = arith.constant 0 : i32
        %dma_wait3A_277 = arith.constant 0 : i32
        %dma_wait3A_278 = tpu.memref_slice %arg5[%dma_wait3A_268, %dma_wait3A_276, %dma_wait3A_277] : memref<4096x200x64xf32, #tpu.memory_space<hbm>> -> memref<1x200x64xf32, #tpu.memory_space<hbm>>
        %dma_wait3A_279 = tpu.memref_squeeze %dma_wait3A_278 : memref<1x200x64xf32, #tpu.memory_space<hbm>> -> memref<200x64xf32, #tpu.memory_space<hbm>>
        %dma_wait3A_280 = arith.constant 200 : i32
        %dma_wait3A_281 = arith.constant 0 : i32
        %dma_wait3A_282 = tpu.memref_slice %arg8[%dma_wait3A_280, %dma_wait3A_281] : memref<400x64xf32, #tpu.memory_space<vmem>> -> memref<200x64xf32, #tpu.memory_space<vmem>>
        tpu.wait_dma2 semaphore(%arg12 : memref<!tpu.dma_semaphore, #tpu.memory_space<semaphore_mem>>) src(%dma_wait3A_282 : memref<200x64xf32, #tpu.memory_space<vmem>>) dst(%dma_wait3A_279 : memref<200x64xf32, #tpu.memory_space<hbm>>)
        %add3A_283 = arith.constant 2 : i32
        %add3A_284 = arith.addi %mul3A_100, %add3A_283 : i32
        %mul3A_285 = arith.constant 400 : i32
        %mul3A_286 = arith.muli %add3A_284, %mul3A_285 : i32
        %add3A_287 = arith.constant 0 : i32
        %add3A_288 = arith.addi %mul3A_286, %add3A_287 : i32
        %dma_start3A_289 = arith.constant 0 : i32
        %dma_start3A_290 = arith.constant 0 : i32
        %dma_start3A_291 = tpu.memref_slice %arg8[%dma_start3A_289, %dma_start3A_290] : memref<400x64xf32, #tpu.memory_space<vmem>> -> memref<128x64xf32, #tpu.memory_space<vmem>>
        %dma_start3A_292 = tpu.memref_slice %arg7[%add3A_288] : memref<25600xi32, #tpu.memory_space<vmem>> -> memref<128xi32, #tpu.memory_space<vmem>>
        %dma_start3A_293 = arith.constant 0 : i32
        %dma_start3A_294 = arith.constant 0 : i32
        %dma_start3A_295 = tpu.memref_slice %arg3[%dma_start3A_293, %dma_start3A_294] : memref<100000x64xf32, #tpu.memory_space<hbm>> -> memref<100000x64xf32, #tpu.memory_space<hbm>>
        tpu.enqueue_indirect_dma source(%dma_start3A_295 : memref<100000x64xf32, #tpu.memory_space<hbm>>) target(%dma_start3A_291 : memref<128x64xf32, #tpu.memory_space<vmem>>) offsets(%dma_start3A_292 : memref<128xi32, #tpu.memory_space<vmem>>) semaphore(%arg10 : memref<!tpu.dma_semaphore, #tpu.memory_space<semaphore_mem>>)
        %mul3A_296 = arith.constant 400 : i32
        %mul3A_297 = arith.muli %add3A_284, %mul3A_296 : i32
        %add3A_298 = arith.constant 128 : i32
        %add3A_299 = arith.addi %mul3A_297, %add3A_298 : i32
        %dma_start3A_300 = arith.constant 128 : i32
        %dma_start3A_301 = arith.constant 0 : i32
        %dma_start3A_302 = tpu.memref_slice %arg8[%dma_start3A_300, %dma_start3A_301] : memref<400x64xf32, #tpu.memory_space<vmem>> -> memref<128x64xf32, #tpu.memory_space<vmem>>
        %dma_start3A_303 = tpu.memref_slice %arg7[%add3A_299] : memref<25600xi32, #tpu.memory_space<vmem>> -> memref<128xi32, #tpu.memory_space<vmem>>
        %dma_start3A_304 = arith.constant 0 : i32
        %dma_start3A_305 = arith.constant 0 : i32
        %dma_start3A_306 = tpu.memref_slice %arg3[%dma_start3A_304, %dma_start3A_305] : memref<100000x64xf32, #tpu.memory_space<hbm>> -> memref<100000x64xf32, #tpu.memory_space<hbm>>
        tpu.enqueue_indirect_dma source(%dma_start3A_306 : memref<100000x64xf32, #tpu.memory_space<hbm>>) target(%dma_start3A_302 : memref<128x64xf32, #tpu.memory_space<vmem>>) offsets(%dma_start3A_303 : memref<128xi32, #tpu.memory_space<vmem>>) semaphore(%arg10 : memref<!tpu.dma_semaphore, #tpu.memory_space<semaphore_mem>>)
        %mul3A_307 = arith.constant 400 : i32
        %mul3A_308 = arith.muli %add3A_284, %mul3A_307 : i32
        %add3A_309 = arith.constant 256 : i32
        %add3A_310 = arith.addi %mul3A_308, %add3A_309 : i32
        %dma_start3A_311 = arith.constant 256 : i32
        %dma_start3A_312 = arith.constant 0 : i32
        %dma_start3A_313 = tpu.memref_slice %arg8[%dma_start3A_311, %dma_start3A_312] : memref<400x64xf32, #tpu.memory_space<vmem>> -> memref<128x64xf32, #tpu.memory_space<vmem>>
        %dma_start3A_314 = tpu.memref_slice %arg7[%add3A_310] : memref<25600xi32, #tpu.memory_space<vmem>> -> memref<128xi32, #tpu.memory_space<vmem>>
        %dma_start3A_315 = arith.constant 0 : i32
        %dma_start3A_316 = arith.constant 0 : i32
        %dma_start3A_317 = tpu.memref_slice %arg3[%dma_start3A_315, %dma_start3A_316] : memref<100000x64xf32, #tpu.memory_space<hbm>> -> memref<100000x64xf32, #tpu.memory_space<hbm>>
        tpu.enqueue_indirect_dma source(%dma_start3A_317 : memref<100000x64xf32, #tpu.memory_space<hbm>>) target(%dma_start3A_313 : memref<128x64xf32, #tpu.memory_space<vmem>>) offsets(%dma_start3A_314 : memref<128xi32, #tpu.memory_space<vmem>>) semaphore(%arg10 : memref<!tpu.dma_semaphore, #tpu.memory_space<semaphore_mem>>)
        %mul3A_318 = arith.constant 400 : i32
        %mul3A_319 = arith.muli %add3A_284, %mul3A_318 : i32
        %add3A_320 = arith.constant 384 : i32
        %add3A_321 = arith.addi %mul3A_319, %add3A_320 : i32
        %dma_start3A_322 = arith.constant 384 : i32
        %dma_start3A_323 = arith.constant 0 : i32
        %dma_start3A_324 = tpu.memref_slice %arg8[%dma_start3A_322, %dma_start3A_323] : memref<400x64xf32, #tpu.memory_space<vmem>> -> memref<16x64xf32, #tpu.memory_space<vmem>>
        %dma_start3A_325 = tpu.memref_slice %arg7[%add3A_321] : memref<25600xi32, #tpu.memory_space<vmem>> -> memref<16xi32, #tpu.memory_space<vmem>>
        %dma_start3A_326 = arith.constant 0 : i32
        %dma_start3A_327 = arith.constant 0 : i32
        %dma_start3A_328 = tpu.memref_slice %arg3[%dma_start3A_326, %dma_start3A_327] : memref<100000x64xf32, #tpu.memory_space<hbm>> -> memref<100000x64xf32, #tpu.memory_space<hbm>>
        tpu.enqueue_indirect_dma source(%dma_start3A_328 : memref<100000x64xf32, #tpu.memory_space<hbm>>) target(%dma_start3A_324 : memref<16x64xf32, #tpu.memory_space<vmem>>) offsets(%dma_start3A_325 : memref<16xi32, #tpu.memory_space<vmem>>) semaphore(%arg10 : memref<!tpu.dma_semaphore, #tpu.memory_space<semaphore_mem>>)
      } else {
      }
      %dma_wait3A_202 = arith.constant 0 : i32
      %dma_wait3A_203 = arith.constant 0 : i32
      %dma_wait3A_204 = tpu.memref_slice %arg3[%dma_wait3A_202, %dma_wait3A_203] : memref<100000x64xf32, #tpu.memory_space<hbm>> -> memref<400x64xf32, #tpu.memory_space<hbm>>
      %dma_wait3A_205 = arith.constant 0 : i32
      %dma_wait3A_206 = arith.constant 0 : i32
      %dma_wait3A_207 = tpu.memref_slice %arg3[%dma_wait3A_205, %dma_wait3A_206] : memref<100000x64xf32, #tpu.memory_space<hbm>> -> memref<400x64xf32, #tpu.memory_space<hbm>>
      tpu.wait_dma2 semaphore(%arg11 : memref<!tpu.dma_semaphore, #tpu.memory_space<semaphore_mem>>) src(%dma_wait3A_207 : memref<400x64xf32, #tpu.memory_space<hbm>>) dst(%arg9 : memref<400x64xf32, #tpu.memory_space<vmem>>)
      %add3A_208 = arith.constant 1 : i32
      %add3A_209 = arith.addi %mul3A_100, %add3A_208 : i32
      %scan3A_210 = arith.constant 0 : i32
      %scan3A_211 = arith.constant 0 : i32
      %scan3A_212 = arith.constant 200 : i32
      %scan3A_213 = arith.addi %scan3A_211, %scan3A_212 : i32
      %scan3A_214 = arith.constant 1 : i32
      scf.for %scan3A_253 = %scan3A_211 to %scan3A_213 step %scan3A_214  : i32 {
        %get3A = arith.index_cast %scan3A_253 : i32 to index
        %get3A_254 = arith.constant 0 : index
        %get3A_255 = tpu.vector_load %arg6[%get3A, %get3A_254] {strides = array<i32>} : memref<200x64xf32, #tpu.memory_space<vmem>>, vector<1x16xf32>,
        %get3A_256 = vector.shape_cast %get3A_255 : vector<1x16xf32> to vector<16xf32>
        %add3A_257 = arith.constant 0 : i32
        %add3A_258 = arith.addi %add3A_257, %scan3A_253 : i32
        %swap3A = arith.index_cast %add3A_258 : i32 to index
        %swap3A_259 = arith.constant 0 : index
        %swap3A_260 = tpu.vector_load %arg9[%swap3A, %swap3A_259] {strides = array<i32>} : memref<400x64xf32, #tpu.memory_space<vmem>>, vector<1x16xf32>,
        %swap3A_261 = vector.shape_cast %swap3A_260 : vector<1x16xf32> to vector<16xf32>
        %swap3A_262 = vector.shape_cast %get3A_256 : vector<16xf32> to vector<1x16xf32>
        tpu.vector_store %arg9[%swap3A, %swap3A_259], %swap3A_262 {add = true, strides = array<i32>} : memref<400x64xf32, #tpu.memory_space<vmem>>, vector<1x16xf32>,
        %add3A_263 = arith.constant 200 : i32
        %add3A_264 = arith.addi %add3A_263, %scan3A_253 : i32
        %swap3A_265 = arith.index_cast %add3A_264 : i32 to index
        %swap3A_266 = arith.constant 0 : index
        %swap3A_267 = tpu.vector_load %arg9[%swap3A_265, %swap3A_266] {strides = array<i32>} : memref<400x64xf32, #tpu.memory_space<vmem>>, vector<1x16xf32>,
        %swap3A_268 = vector.shape_cast %swap3A_267 : vector<1x16xf32> to vector<16xf32>
        %swap3A_269 = vector.shape_cast %get3A_256 : vector<16xf32> to vector<1x16xf32>
        tpu.vector_store %arg9[%swap3A_265, %swap3A_266], %swap3A_269 {add = true, strides = array<i32>} : memref<400x64xf32, #tpu.memory_space<vmem>>, vector<1x16xf32>,
        %get3A_270 = arith.index_cast %scan3A_253 : i32 to index
        %get3A_271 = arith.constant 16 : index
        %get3A_272 = tpu.vector_load %arg6[%get3A_270, %get3A_271] {strides = array<i32>} : memref<200x64xf32, #tpu.memory_space<vmem>>, vector<1x16xf32>,
        %get3A_273 = vector.shape_cast %get3A_272 : vector<1x16xf32> to vector<16xf32>
        %add3A_274 = arith.constant 0 : i32
        %add3A_275 = arith.addi %add3A_274, %scan3A_253 : i32
        %swap3A_276 = arith.index_cast %add3A_275 : i32 to index
        %swap3A_277 = arith.constant 16 : index
        %swap3A_278 = tpu.vector_load %arg9[%swap3A_276, %swap3A_277] {strides = array<i32>} : memref<400x64xf32, #tpu.memory_space<vmem>>, vector<1x16xf32>,
        %swap3A_279 = vector.shape_cast %swap3A_278 : vector<1x16xf32> to vector<16xf32>
        %swap3A_280 = vector.shape_cast %get3A_273 : vector<16xf32> to vector<1x16xf32>
        tpu.vector_store %arg9[%swap3A_276, %swap3A_277], %swap3A_280 {add = true, strides = array<i32>} : memref<400x64xf32, #tpu.memory_space<vmem>>, vector<1x16xf32>,
        %add3A_281 = arith.constant 200 : i32
        %add3A_282 = arith.addi %add3A_281, %scan3A_253 : i32
        %swap3A_283 = arith.index_cast %add3A_282 : i32 to index
        %swap3A_284 = arith.constant 16 : index
        %swap3A_285 = tpu.vector_load %arg9[%swap3A_283, %swap3A_284] {strides = array<i32>} : memref<400x64xf32, #tpu.memory_space<vmem>>, vector<1x16xf32>,
        %swap3A_286 = vector.shape_cast %swap3A_285 : vector<1x16xf32> to vector<16xf32>
        %swap3A_287 = vector.shape_cast %get3A_273 : vector<16xf32> to vector<1x16xf32>
        tpu.vector_store %arg9[%swap3A_283, %swap3A_284], %swap3A_287 {add = true, strides = array<i32>} : memref<400x64xf32, #tpu.memory_space<vmem>>, vector<1x16xf32>,
        %get3A_288 = arith.index_cast %scan3A_253 : i32 to index
        %get3A_289 = arith.constant 32 : index
        %get3A_290 = tpu.vector_load %arg6[%get3A_288, %get3A_289] {strides = array<i32>} : memref<200x64xf32, #tpu.memory_space<vmem>>, vector<1x16xf32>,
        %get3A_291 = vector.shape_cast %get3A_290 : vector<1x16xf32> to vector<16xf32>
        %add3A_292 = arith.constant 0 : i32
        %add3A_293 = arith.addi %add3A_292, %scan3A_253 : i32
        %swap3A_294 = arith.index_cast %add3A_293 : i32 to index
        %swap3A_295 = arith.constant 32 : index
        %swap3A_296 = tpu.vector_load %arg9[%swap3A_294, %swap3A_295] {strides = array<i32>} : memref<400x64xf32, #tpu.memory_space<vmem>>, vector<1x16xf32>,
        %swap3A_297 = vector.shape_cast %swap3A_296 : vector<1x16xf32> to vector<16xf32>
        %swap3A_298 = vector.shape_cast %get3A_291 : vector<16xf32> to vector<1x16xf32>
        tpu.vector_store %arg9[%swap3A_294, %swap3A_295], %swap3A_298 {add = true, strides = array<i32>} : memref<400x64xf32, #tpu.memory_space<vmem>>, vector<1x16xf32>,
        %add3A_299 = arith.constant 200 : i32
        %add3A_300 = arith.addi %add3A_299, %scan3A_253 : i32
        %swap3A_301 = arith.index_cast %add3A_300 : i32 to index
        %swap3A_302 = arith.constant 32 : index
        %swap3A_303 = tpu.vector_load %arg9[%swap3A_301, %swap3A_302] {strides = array<i32>} : memref<400x64xf32, #tpu.memory_space<vmem>>, vector<1x16xf32>,
        %swap3A_304 = vector.shape_cast %swap3A_303 : vector<1x16xf32> to vector<16xf32>
        %swap3A_305 = vector.shape_cast %get3A_291 : vector<16xf32> to vector<1x16xf32>
        tpu.vector_store %arg9[%swap3A_301, %swap3A_302], %swap3A_305 {add = true, strides = array<i32>} : memref<400x64xf32, #tpu.memory_space<vmem>>, vector<1x16xf32>,
        %get3A_306 = arith.index_cast %scan3A_253 : i32 to index
        %get3A_307 = arith.constant 48 : index
        %get3A_308 = tpu.vector_load %arg6[%get3A_306, %get3A_307] {strides = array<i32>} : memref<200x64xf32, #tpu.memory_space<vmem>>, vector<1x16xf32>,
        %get3A_309 = vector.shape_cast %get3A_308 : vector<1x16xf32> to vector<16xf32>
        %add3A_310 = arith.constant 0 : i32
        %add3A_311 = arith.addi %add3A_310, %scan3A_253 : i32
        %swap3A_312 = arith.index_cast %add3A_311 : i32 to index
        %swap3A_313 = arith.constant 48 : index
        %swap3A_314 = tpu.vector_load %arg9[%swap3A_312, %swap3A_313] {strides = array<i32>} : memref<400x64xf32, #tpu.memory_space<vmem>>, vector<1x16xf32>,
        %swap3A_315 = vector.shape_cast %swap3A_314 : vector<1x16xf32> to vector<16xf32>
        %swap3A_316 = vector.shape_cast %get3A_309 : vector<16xf32> to vector<1x16xf32>
        tpu.vector_store %arg9[%swap3A_312, %swap3A_313], %swap3A_316 {add = true, strides = array<i32>} : memref<400x64xf32, #tpu.memory_space<vmem>>, vector<1x16xf32>,
        %add3A_317 = arith.constant 200 : i32
        %add3A_318 = arith.addi %add3A_317, %scan3A_253 : i32
        %swap3A_319 = arith.index_cast %add3A_318 : i32 to index
        %swap3A_320 = arith.constant 48 : index
        %swap3A_321 = tpu.vector_load %arg9[%swap3A_319, %swap3A_320] {strides = array<i32>} : memref<400x64xf32, #tpu.memory_space<vmem>>, vector<1x16xf32>,
        %swap3A_322 = vector.shape_cast %swap3A_321 : vector<1x16xf32> to vector<16xf32>
        %swap3A_323 = vector.shape_cast %get3A_309 : vector<16xf32> to vector<1x16xf32>
        tpu.vector_store %arg9[%swap3A_319, %swap3A_320], %swap3A_323 {add = true, strides = array<i32>} : memref<400x64xf32, #tpu.memory_space<vmem>>, vector<1x16xf32>,
      }
      %scan3A_215 = arith.constant 200 : i32
      %mul3A_216 = arith.constant 128 : i32
      %mul3A_217 = arith.muli %add3A, %mul3A_216 : i32
      %mul3A_218 = arith.constant 2 : i32
      %mul3A_219 = arith.muli %add3A_209, %mul3A_218 : i32
      %add3A_220 = arith.addi %mul3A_217, %mul3A_219 : i32
      %add3A_221 = arith.constant 0 : i32
      %add3A_222 = arith.addi %add3A_220, %add3A_221 : i32
      %dma_start3A_223 = arith.constant 0 : i32
      %dma_start3A_224 = arith.constant 0 : i32
      %dma_start3A_225 = tpu.memref_slice %arg9[%dma_start3A_223, %dma_start3A_224] : memref<400x64xf32, #tpu.memory_space<vmem>> -> memref<200x64xf32, #tpu.memory_space<vmem>>
      %dma_start3A_226 = arith.constant 0 : i32
      %dma_start3A_227 = arith.constant 0 : i32
      %dma_start3A_228 = tpu.memref_slice %arg5[%add3A_222, %dma_start3A_226, %dma_start3A_227] : memref<4096x200x64xf32, #tpu.memory_space<hbm>> -> memref<1x200x64xf32, #tpu.memory_space<hbm>>
      %dma_start3A_229 = tpu.memref_squeeze %dma_start3A_228 : memref<1x200x64xf32, #tpu.memory_space<hbm>> -> memref<200x64xf32, #tpu.memory_space<hbm>>
      %dma_start3A_230 = arith.constant 0 : i32
      %dma_start3A_231 = arith.constant 0 : i32
      %dma_start3A_232 = tpu.memref_slice %arg5[%add3A_222, %dma_start3A_230, %dma_start3A_231] : memref<4096x200x64xf32, #tpu.memory_space<hbm>> -> memref<1x200x64xf32, #tpu.memory_space<hbm>>
      %dma_start3A_233 = tpu.memref_squeeze %dma_start3A_232 : memref<1x200x64xf32, #tpu.memory_space<hbm>> -> memref<200x64xf32, #tpu.memory_space<hbm>>
      %dma_start3A_234 = arith.constant 0 : i32
      %dma_start3A_235 = arith.constant 0 : i32
      %dma_start3A_236 = tpu.memref_slice %arg9[%dma_start3A_234, %dma_start3A_235] : memref<400x64xf32, #tpu.memory_space<vmem>> -> memref<200x64xf32, #tpu.memory_space<vmem>>
      tpu.enqueue_dma source(%dma_start3A_236 : memref<200x64xf32, #tpu.memory_space<vmem>>) target(%dma_start3A_233 : memref<200x64xf32, #tpu.memory_space<hbm>>) target_semaphore(%arg13 : memref<!tpu.dma_semaphore, #tpu.memory_space<semaphore_mem>>)
      %add3A_237 = arith.constant 1 : i32
      %add3A_238 = arith.addi %add3A_220, %add3A_237 : i32
      %dma_start3A_239 = arith.constant 200 : i32
      %dma_start3A_240 = arith.constant 0 : i32
      %dma_start3A_241 = tpu.memref_slice %arg9[%dma_start3A_239, %dma_start3A_240] : memref<400x64xf32, #tpu.memory_space<vmem>> -> memref<200x64xf32, #tpu.memory_space<vmem>>
      %dma_start3A_242 = arith.constant 0 : i32
      %dma_start3A_243 = arith.constant 0 : i32
      %dma_start3A_244 = tpu.memref_slice %arg5[%add3A_238, %dma_start3A_242, %dma_start3A_243] : memref<4096x200x64xf32, #tpu.memory_space<hbm>> -> memref<1x200x64xf32, #tpu.memory_space<hbm>>
      %dma_start3A_245 = tpu.memref_squeeze %dma_start3A_244 : memref<1x200x64xf32, #tpu.memory_space<hbm>> -> memref<200x64xf32, #tpu.memory_space<hbm>>
      %dma_start3A_246 = arith.constant 0 : i32
      %dma_start3A_247 = arith.constant 0 : i32
      %dma_start3A_248 = tpu.memref_slice %arg5[%add3A_238, %dma_start3A_246, %dma_start3A_247] : memref<4096x200x64xf32, #tpu.memory_space<hbm>> -> memref<1x200x64xf32, #tpu.memory_space<hbm>>
      %dma_start3A_249 = tpu.memref_squeeze %dma_start3A_248 : memref<1x200x64xf32, #tpu.memory_space<hbm>> -> memref<200x64xf32, #tpu.memory_space<hbm>>
      %dma_start3A_250 = arith.constant 200 : i32
      %dma_start3A_251 = arith.constant 0 : i32
      %dma_start3A_252 = tpu.memref_slice %arg9[%dma_start3A_250, %dma_start3A_251] : memref<400x64xf32, #tpu.memory_space<vmem>> -> memref<200x64xf32, #tpu.memory_space<vmem>>
      tpu.enqueue_dma source(%dma_start3A_252 : memref<200x64xf32, #tpu.memory_space<vmem>>) target(%dma_start3A_249 : memref<200x64xf32, #tpu.memory_space<hbm>>) target_semaphore(%arg13 : memref<!tpu.dma_semaphore, #tpu.memory_space<semaphore_mem>>)
    }
    %scan3A_38 = arith.constant 32 : i32
    %dma_wait3A = arith.constant 0 : i32
    %dma_wait3A_39 = arith.constant 0 : i32
    %dma_wait3A_40 = arith.constant 0 : i32
    %dma_wait3A_41 = tpu.memref_slice %arg8[%dma_wait3A_39, %dma_wait3A_40] : memref<400x64xf32, #tpu.memory_space<vmem>> -> memref<200x64xf32, #tpu.memory_space<vmem>>
    %dma_wait3A_42 = arith.constant 0 : i32
    %dma_wait3A_43 = arith.constant 0 : i32
    %dma_wait3A_44 = tpu.memref_slice %arg5[%dma_wait3A, %dma_wait3A_42, %dma_wait3A_43] : memref<4096x200x64xf32, #tpu.memory_space<hbm>> -> memref<1x200x64xf32, #tpu.memory_space<hbm>>
    %dma_wait3A_45 = tpu.memref_squeeze %dma_wait3A_44 : memref<1x200x64xf32, #tpu.memory_space<hbm>> -> memref<200x64xf32, #tpu.memory_space<hbm>>
    %dma_wait3A_46 = arith.constant 0 : i32
    %dma_wait3A_47 = arith.constant 0 : i32
    %dma_wait3A_48 = tpu.memref_slice %arg5[%dma_wait3A, %dma_wait3A_46, %dma_wait3A_47] : memref<4096x200x64xf32, #tpu.memory_space<hbm>> -> memref<1x200x64xf32, #tpu.memory_space<hbm>>
    %dma_wait3A_49 = tpu.memref_squeeze %dma_wait3A_48 : memref<1x200x64xf32, #tpu.memory_space<hbm>> -> memref<200x64xf32, #tpu.memory_space<hbm>>
    %dma_wait3A_50 = arith.constant 0 : i32
    %dma_wait3A_51 = arith.constant 0 : i32
    %dma_wait3A_52 = tpu.memref_slice %arg8[%dma_wait3A_50, %dma_wait3A_51] : memref<400x64xf32, #tpu.memory_space<vmem>> -> memref<200x64xf32, #tpu.memory_space<vmem>>
    tpu.wait_dma2 semaphore(%arg12 : memref<!tpu.dma_semaphore, #tpu.memory_space<semaphore_mem>>) src(%dma_wait3A_52 : memref<200x64xf32, #tpu.memory_space<vmem>>) dst(%dma_wait3A_49 : memref<200x64xf32, #tpu.memory_space<hbm>>)
    %dma_wait3A_53 = arith.constant 0 : i32
    %dma_wait3A_54 = arith.constant 200 : i32
    %dma_wait3A_55 = arith.constant 0 : i32
    %dma_wait3A_56 = tpu.memref_slice %arg8[%dma_wait3A_54, %dma_wait3A_55] : memref<400x64xf32, #tpu.memory_space<vmem>> -> memref<200x64xf32, #tpu.memory_space<vmem>>
    %dma_wait3A_57 = arith.constant 0 : i32
    %dma_wait3A_58 = arith.constant 0 : i32
    %dma_wait3A_59 = tpu.memref_slice %arg5[%dma_wait3A_53, %dma_wait3A_57, %dma_wait3A_58] : memref<4096x200x64xf32, #tpu.memory_space<hbm>> -> memref<1x200x64xf32, #tpu.memory_space<hbm>>
    %dma_wait3A_60 = tpu.memref_squeeze %dma_wait3A_59 : memref<1x200x64xf32, #tpu.memory_space<hbm>> -> memref<200x64xf32, #tpu.memory_space<hbm>>
    %dma_wait3A_61 = arith.constant 0 : i32
    %dma_wait3A_62 = arith.constant 0 : i32
    %dma_wait3A_63 = tpu.memref_slice %arg5[%dma_wait3A_53, %dma_wait3A_61, %dma_wait3A_62] : memref<4096x200x64xf32, #tpu.memory_space<hbm>> -> memref<1x200x64xf32, #tpu.memory_space<hbm>>
    %dma_wait3A_64 = tpu.memref_squeeze %dma_wait3A_63 : memref<1x200x64xf32, #tpu.memory_space<hbm>> -> memref<200x64xf32, #tpu.memory_space<hbm>>
    %dma_wait3A_65 = arith.constant 200 : i32
    %dma_wait3A_66 = arith.constant 0 : i32
    %dma_wait3A_67 = tpu.memref_slice %arg8[%dma_wait3A_65, %dma_wait3A_66] : memref<400x64xf32, #tpu.memory_space<vmem>> -> memref<200x64xf32, #tpu.memory_space<vmem>>
    tpu.wait_dma2 semaphore(%arg12 : memref<!tpu.dma_semaphore, #tpu.memory_space<semaphore_mem>>) src(%dma_wait3A_67 : memref<200x64xf32, #tpu.memory_space<vmem>>) dst(%dma_wait3A_64 : memref<200x64xf32, #tpu.memory_space<hbm>>)
    %dma_wait3A_68 = arith.constant 0 : i32
    %dma_wait3A_69 = arith.constant 0 : i32
    %dma_wait3A_70 = arith.constant 0 : i32
    %dma_wait3A_71 = tpu.memref_slice %arg9[%dma_wait3A_69, %dma_wait3A_70] : memref<400x64xf32, #tpu.memory_space<vmem>> -> memref<200x64xf32, #tpu.memory_space<vmem>>
    %dma_wait3A_72 = arith.constant 0 : i32
    %dma_wait3A_73 = arith.constant 0 : i32
    %dma_wait3A_74 = tpu.memref_slice %arg5[%dma_wait3A_68, %dma_wait3A_72, %dma_wait3A_73] : memref<4096x200x64xf32, #tpu.memory_space<hbm>> -> memref<1x200x64xf32, #tpu.memory_space<hbm>>
    %dma_wait3A_75 = tpu.memref_squeeze %dma_wait3A_74 : memref<1x200x64xf32, #tpu.memory_space<hbm>> -> memref<200x64xf32, #tpu.memory_space<hbm>>
    %dma_wait3A_76 = arith.constant 0 : i32
    %dma_wait3A_77 = arith.constant 0 : i32
    %dma_wait3A_78 = tpu.memref_slice %arg5[%dma_wait3A_68, %dma_wait3A_76, %dma_wait3A_77] : memref<4096x200x64xf32, #tpu.memory_space<hbm>> -> memref<1x200x64xf32, #tpu.memory_space<hbm>>
    %dma_wait3A_79 = tpu.memref_squeeze %dma_wait3A_78 : memref<1x200x64xf32, #tpu.memory_space<hbm>> -> memref<200x64xf32, #tpu.memory_space<hbm>>
    %dma_wait3A_80 = arith.constant 0 : i32
    %dma_wait3A_81 = arith.constant 0 : i32
    %dma_wait3A_82 = tpu.memref_slice %arg9[%dma_wait3A_80, %dma_wait3A_81] : memref<400x64xf32, #tpu.memory_space<vmem>> -> memref<200x64xf32, #tpu.memory_space<vmem>>
    tpu.wait_dma2 semaphore(%arg13 : memref<!tpu.dma_semaphore, #tpu.memory_space<semaphore_mem>>) src(%dma_wait3A_82 : memref<200x64xf32, #tpu.memory_space<vmem>>) dst(%dma_wait3A_79 : memref<200x64xf32, #tpu.memory_space<hbm>>)
    %dma_wait3A_83 = arith.constant 0 : i32
    %dma_wait3A_84 = arith.constant 200 : i32
    %dma_wait3A_85 = arith.constant 0 : i32
    %dma_wait3A_86 = tpu.memref_slice %arg9[%dma_wait3A_84, %dma_wait3A_85] : memref<400x64xf32, #tpu.memory_space<vmem>> -> memref<200x64xf32, #tpu.memory_space<vmem>>
    %dma_wait3A_87 = arith.constant 0 : i32
    %dma_wait3A_88 = arith.constant 0 : i32
    %dma_wait3A_89 = tpu.memref_slice %arg5[%dma_wait3A_83, %dma_wait3A_87, %dma_wait3A_88] : memref<4096x200x64xf32, #tpu.memory_space<hbm>> -> memref<1x200x64xf32, #tpu.memory_space<hbm>>
    %dma_wait3A_90 = tpu.memref_squeeze %dma_wait3A_89 : memref<1x200x64xf32, #tpu.memory_space<hbm>> -> memref<200x64xf32, #tpu.memory_space<hbm>>
    %dma_wait3A_91 = arith.constant 0 : i32
    %dma_wait3A_92 = arith.constant 0 : i32
    %dma_wait3A_93 = tpu.memref_slice %arg5[%dma_wait3A_83, %dma_wait3A_91, %dma_wait3A_92] : memref<4096x200x64xf32, #tpu.memory_space<hbm>> -> memref<1x200x64xf32, #tpu.memory_space<hbm>>
    %dma_wait3A_94 = tpu.memref_squeeze %dma_wait3A_93 : memref<1x200x64xf32, #tpu.memory_space<hbm>> -> memref<200x64xf32, #tpu.memory_space<hbm>>
    %dma_wait3A_95 = arith.constant 200 : i32
    %dma_wait3A_96 = arith.constant 0 : i32
    %dma_wait3A_97 = tpu.memref_slice %arg9[%dma_wait3A_95, %dma_wait3A_96] : memref<400x64xf32, #tpu.memory_space<vmem>> -> memref<200x64xf32, #tpu.memory_space<vmem>>
    tpu.wait_dma2 semaphore(%arg13 : memref<!tpu.dma_semaphore, #tpu.memory_space<semaphore_mem>>) src(%dma_wait3A_97 : memref<200x64xf32, #tpu.memory_space<vmem>>) dst(%dma_wait3A_94 : memref<200x64xf32, #tpu.memory_space<hbm>>)
    return
  }
}

</mosaic_0001>

<sc_bundles>
// kernel: kernel.3.cloned.1.call-start
scs
__scs_entry_jumppad:
0x0: {  	(pc) =	sbr.rel $0x88, $3  }
0x1: {  	(tag) =	ssettag $0x0;
	lr =	simm.s32 $0x1  }
0x2: {  	[smem:$0x3F9E] =	sst lr;
	_ =	strace $0xD0000000  }
0x3: {  	_ = 	snop  }
0x4: {  	_ = 	snop  }
0x5: {  	_ = 	snop  }
0x6: {  	_ = 	snop  }
0x7: {  	_ = 	snop  }
__scs_overlays_trampoline_lowered:
0x8: {  	[smem:$0x3FAD] =	sst s0  }
0x9: {  	[smem:$0x3FAE] =	sst s1  }
0xa: {  	[smem:$0x3FAF] =	sst s2  }
0xb: {  	[smem:$0x3FB0] =	sst s3  }
0xc: {  	[smem:$0x3FB1] =	sst s4  }
0xd: {  	[smem:$0x3FB2] =	sst s5  }
0xe: {  	[smem:$0x3FB3] =	sst s6  }
0xf: {  	[smem:$0x3FB4] =	sst s7  }
0x10: {  	[smem:$0x3FB5] =	sst s8  }
0x11: {  	[smem:$0x3FB6] =	sst s9;
	s0 =	simm.s32 @!p0 $0x0  }
0x12: {  	s1 =	sld [smem:$0x3F9C];
	s0 =	simm.s32 @p0 $0x1  }
0x13: {  	[smem:$0x3FB7] =	sst s0;
	s0 =	simm.s32 @!p1 $0x0  }
0x14: {  	s2 =	sld [smem:$0x3F9B];
	s0 =	simm.s32 @p1 $0x1  }
0x15: {  	[smem:$0x3FB8] =	sst s0;
	s0 =	simm.s32 @!p2 $0x0  }
0x16: {  	s3 =	sld [smem:$0x3FDB];
	s0 =	simm.s32 @p2 $0x1  }
0x17: {  	s4 =	simm.s32 $0x1BF5;
	[smem:$0x3FBA] =	sst s0  }
0x18: {  	s0 =	sld [smem:$0x3F9D];
	_ =	swait.ge [sflag:s4], $0x0  }
0x19: {  	s7 =	sld [smem:$0x3F9E]  }
0x1a: {  	s8 =	sadd.s32 $0xFFFFE003, lr  }
0x1b: {  	s9 =	sadd.s32 $0xFFFFFEF7, lr;
	s5 =	simm.s32 $0xFFFFFFFF;
	p2 =	slt.u32 s8, $0xFFFFF086  }
0x1c: {  	p1 =	slt.u32 s9, $0xF7A;
	s5 =	simm.s32 @!p2 $0x0  }
0x1d: {  	s5 =	simm.s32 @p1 $0x1;
	p0 =	seq.s32 s7, s2  }
0x1e: {  	s7 =	smul.u32 @!p0 $0xF7A, s2;
	p2 =	seq.s32 @!p0 s5, $0x0  }
0x1f: {  	s9 =	smul.u32 $0xF7A, s1;
	s8 =	simm.s32 @!p0 $0x1BF5;
	p2 =	por !p2, p0  }
0x20: {  	[sflag:s8] =	ssyncset.s32 @!p0 $0xFFFFF086;
	s6 =	sadd.s32 @!p0 s3, s7;
	s7 =	simm.s32 @!p0 $0x108  }
0x21: {  	s3 =	sadd.s32 s3, s9;
	s6 =	sadd.s32 @!p0 $0x88, s6;
	s7 =	simm.s32 @p2 $0x1082  }
0x22: {  	[simem:s7], [sflag:s8] =	dma.local @!p0 [hbm:s6], $0xF7A  }
0x23: {  	s9 =	sor.u32 $0xD0000000, s2;
	s6 =	simm.s32 $0x108;
	_ =	swait.ge @!p0 [sflag:s8], $0x0  }
0x24: {  	s3 =	sadd.s32 $0x88, s3;
	s6 =	simm.s32 @!p1 $0x1082;
	[sflag:s4] =	ssyncset.s32 $0xFFFFF086  }
0x25: {  	[simem:s6], [sflag:s4] =	dma.local [hbm:s3], $0xF7A  }
0x26: {  	[smem:$0x3F9E] =	sst s1;
	(tag) =	ssettag s2;
	_ =	strace s9  }
0x27: {  	s1 =	sld [smem:$0x3FAE]  }
0x28: {  	s2 =	sld [smem:$0x3FAF]  }
0x29: {  	s4 =	sld [smem:$0x3FB1]  }
0x2a: {  	p0 =	seq.s32 s5, $0x0;
	s5 =	sld [smem:$0x3FB2]  }
0x2b: {  	s6 =	sld [smem:$0x3FB3]  }
0x2c: {  	s7 =	sld [smem:$0x3FB4]  }
0x2d: {  	s3 =	simm.s32 $0x108;
	s8 =	sld [smem:$0x3FB5]  }
0x2e: {  	s3 =	simm.s32 @!p0 $0x1082;
	s9 =	sld [smem:$0x3FB6]  }
0x2f: {  	lr =	sadd.s32 s0, s3;
	s0 =	sld [smem:$0x3FAD]  }
0x30: {  	s3 =	sld [smem:$0x3FB0]  }
0x31: {  	[smem:$0x3FB9] =	sst s10  }
0x32: {  	s10 =	sld [smem:$0x3FB7];
	_ =	sdelay $0x3  }
0x33: {  	p0 =	seq.s32 s10, $0x1;
	s10 =	sld [smem:$0x3FB9];
	_ =	sdelay $0x3  }
0x34: {  	[smem:$0x3FB9] =	sst s10  }
0x35: {  	s10 =	sld [smem:$0x3FB8];
	_ =	sdelay $0x3  }
0x36: {  	p1 =	seq.s32 s10, $0x1;
	s10 =	sld [smem:$0x3FB9];
	_ =	sdelay $0x3  }
0x37: {  	[smem:$0x3FB9] =	sst s10  }
0x38: {  	s10 =	sld [smem:$0x3FBA]  }
0x39: {  	_ = 	snop;
	(pc) =	sbr.ind lr, $3  }
0x3a: {  	_ = 	snop  }
0x3b: {  	_ = 	snop  }
0x3c: {  	p2 =	seq.s32 s10, $0x1;
	s10 =	sld [smem:$0x3FB9]  }
0x3d: {  	_ =	shalt  }
0x3e: {  	_ =	shalt  }
0x3f: {  	_ =	shalt  }
0x40: {  	_ =	shalt  }
0x41: {  	_ =	shalt  }
0x42: {  	_ =	shalt  }
0x43: {  	_ =	shalt  }
0x44: {  	_ =	shalt  }
0x45: {  	_ =	shalt  }
0x46: {  	_ =	shalt  }
0x47: {  	_ =	shalt  }
0x48: {  	_ =	shalt  }
0x49: {  	_ =	shalt  }
0x4a: {  	_ =	shalt  }
0x4b: {  	_ =	shalt  }
0x4c: {  	_ =	shalt  }
0x4d: {  	_ =	shalt  }
0x4e: {  	_ =	shalt  }
0x4f: {  	_ =	shalt  }
0x50: {  	_ =	shalt  }
0x51: {  	_ =	shalt  }
0x52: {  	_ =	shalt  }
0x53: {  	_ =	shalt  }
0x54: {  	_ =	shalt  }
0x55: {  	_ =	shalt  }
0x56: {  	_ =	shalt  }
0x57: {  	_ =	shalt  }
0x58: {  	_ =	shalt  }
0x59: {  	_ =	shalt  }
0x5a: {  	_ =	shalt  }
0x5b: {  	_ =	shalt  }
0x5c: {  	_ =	shalt  }
0x5d: {  	_ =	shalt  }
0x5e: {  	_ =	shalt  }
0x5f: {  	_ =	shalt  }
0x60: {  	_ =	shalt  }
0x61: {  	_ =	shalt  }
0x62: {  	_ =	shalt  }
0x63: {  	_ =	shalt  }
0x64: {  	_ =	shalt  }
0x65: {  	_ =	shalt  }
0x66: {  	_ =	shalt  }
0x67: {  	_ =	shalt  }
0x68: {  	_ =	shalt  }
0x69: {  	_ =	shalt  }
0x6a: {  	_ =	shalt  }
0x6b: {  	_ =	shalt  }
0x6c: {  	_ =	shalt  }
0x6d: {  	_ =	shalt  }
0x6e: {  	_ =	shalt  }
0x6f: {  	_ =	shalt  }
0x70: {  	_ =	shalt  }
0x71: {  	_ =	shalt  }
0x72: {  	_ =	shalt  }
0x73: {  	_ =	shalt  }
0x74: {  	_ =	shalt  }
0x75: {  	_ =	shalt  }
0x76: {  	_ =	shalt  }
0x77: {  	_ =	shalt  }
0x78: {  	_ =	shalt  }
0x79: {  	_ =	shalt  }
0x7a: {  	_ =	shalt  }
0x7b: {  	_ =	shalt  }
0x7c: {  	_ =	shalt  }
0x7d: {  	_ =	shalt  }
0x7e: {  	_ =	shalt  }
0x7f: {  	_ =	shalt  }
0x80: {  	_ =	shalt  }
0x81: {  	_ =	shalt  }
0x82: {  	_ =	shalt  }
0x83: {  	_ =	shalt  }
0x84: {  	_ =	shalt  }
0x85: {  	_ =	shalt  }
0x86: {  	_ =	shalt  }
0x87: {  	_ =	shalt  }
.Lfunc_end0:
.L_simem_size_0:
called_computation.1_lowered:
.L_overlay_start_0:
0x88: {  	s2 =	sld [smem:$0x3FD9]  }
0x89: {  	s3 =	sld [smem:$0x3FFE];
	_ =	sdelay $0x1  }
0x8a: {  	s1 =	srdreg.scid  }
0x8b: {  	s0 =	sand.u32 $0x1, s1  }
0x8c: {  	s17 =	sshll.u32 s0, $0xA;
	s2 =	sadd.s32 s3, s2  }
0x8d: {  	s2 =	sadd.s32 s2, s17  }
0x8e: {  	[smem:$0x3FC5] =	sst s2  }
0x8f: {  	_ = 	snop  }
0x90: {  	s2 =	sld [smem:$0x3FD0];
	(tm) =	ssettm $0x1  }
0x91: {  	s18 =	sld [smem:$0x3FFB];
	_ =	sdelay $0x3  }
0x92: {  	_ =	strace s18  }
0x93: {  	s3 =	sld [smem:$0x3FFC];
	_ =	sdelay $0x3  }
0x94: {  	_ =	strace s3  }
0x95: {  	s3 =	sld [smem:$0x3FFD];
	_ =	sdelay $0x3  }
0x96: {  	_ =	strace s3  }
0x97: {  	_ =	strace $0x8FFFFFFF  }
0x98: {  	s19 =	sld [smem:$0x3FDB];
	_ =	sdelay $0x1  }
0x99: {  	s4 =	simm.s32 $_scs_section_size  }
0x9a: {  	s5 =	simm.s32 $_size__tile_overlayer_lowered;
	s6 =	simm.s32 $_tile_overlayer_lowered  }
0x9b: {  	s22 =	simm.s32 $0x1BFF;
	s21 =	sshll.u32 s6, $0x1;
	s3 =	sadd.s32 s4, s19  }
0x9c: {  	s7 =	simm.s32 $0x0;
	s20 =	sshll.u32 s5, $0x1;
	s5 =	sadd.s32 s21, s3  }
0x9d: {  	[timem:s7], [sflag:s22] =	dma.local [hbm:s5], s20  }
0x9e: {  	_ =	swait.ge [sflag:s22], s20  }
0x9f: {  	s4 =	ssub.s32 $0x0, s20;
	[sflag:s22] =	ssyncset.done $0x0  }
0xa0: {  	[sflag:s22] =	ssyncadd.s32 s4;
	_ =	sdelay $0x1  }
0xa1: {  	s23 =	simm.s32 $0x1B8B  }
0xa2: {  	_ =	swait.ge [sflag:s23], $0x1  }
0xa3: {  	[sflag:s23] =	ssyncset.done $0x0  }
0xa4: {  	s25 =	simm.s32 $0x1B8E;
	s24 =	sld [smem:$0x3FFE];
	[sflag:s23] =	ssyncadd.s32 $0xFFFFFFFF  }
0xa5: {  	s26 =	simm.s32 $execute0_lowered;
	[smem:$0x3FD2] =	sst s25  }
0xa6: {  	s5 =	sshll.u32 s26, $0x1;
	_ =	strace $0x80000046;
	[dreg:$0x1] =	wrdreg $0xFFFFFFFF  }
0xa7: {  	s28 =	simm.s32 $_size_execute0_lowered;
	s3 =	sadd.s32 s3, s5;
	[dreg:$0x0] =	wrdreg $0x0  }
0xa8: {  	s5 =	sshll.u32 s28, $0x1;
	[dreg:$0x2] =	wrdreg s3  }
0xa9: {  	[dreg:$0x3] =	wrdreg s5  }
0xaa: {  	[dreg:$0x4] =	wrdreg $0xC0  }
0xab: {  	_ =	task [dreg:s7], $0x5FFFF  }
0xac: {  	[dreg:$0x1] =	wrdreg $0xFFFFFFFF  }
0xad: {  	[dreg:$0x0] =	wrdreg $0x60  }
0xae: {  	[dreg:$0x2] =	wrdreg s24  }
0xaf: {  	[dreg:$0x3] =	wrdreg s2  }
0xb0: {  	[dreg:$0x4] =	wrdreg $0x9  }
0xb1: {  	_ =	task.clear_ibuf [dreg:s7], $0x5FFFF;
	_ =	strace $0x90000046  }
0xb2: {  	s29 =	simm.s32 $0x9;
	_ =	strace $0x80000048  }
0xb3: {  	_ =	swait.ge [sflag:s29], $0x1  }
0xb4: {  	[sflag:s29] =	ssyncadd.s32 $0xFFFFFFFF  }
0xb5: {  	_ =	strace $0x90000048  }
0xb6: {  	_ =	sfence  }
0xb7: {  	s30 =	sld [smem:$0x0];
	_ =	sdelay $0x2  }
0xb8: {  	s31 =	sshll.u32 s1, $0xD;
	s1 =	sshrl.u32 s1, $0x2  }
0xb9: {  	s3 =	sand.u32 $0x4000, s31;
	s1 =	sadd.s32 s1, s30  }
0xba: {  	s0 =	sor.u32 s3, s0;
	s1 =	sshll.u32 s1, $0x11  }
0xbb: {  	s0 =	sor.u32 s1, s0  }
0xbc: {  	s0 =	sadd.s32 $0x8F2B, s0  }
0xbd: {  	[sflag:s0] =	ssyncadd.remote.s32 $0x1  }
0xbe: {  	_ =	sfence.sel $0xFFFF  }
0xbf: {  	[dreg:$0x0] =	wrdreg $0xFFFFFFFF;
	(pc) =	sbr.abs _section_cstart, $3  }
0xc0: {  	[dreg:$0x1] =	wrdreg $0xFFFFFFFF  }
0xc1: {  	_ =	task.clear_ibuf [dreg:s7], $0x2FFFF;
	_ =	strace $0x9FFFFFFF  }
0xc2: {  	(tm) =	ssettm $0x7FFFFFFF  }
0xc3: {  	_ =	shalt  }
tec
execute0_lowered:
.L_overlay_start_1:
0x0: {  	(tag) =	ssettag $0x1  }
0x1: {  	s0 =	rddreg [dreg:$0x0];
	s1 =	srdreg.scid  }
0x2: {  	s3 =	stileid.u32;
	s2 =	rddreg [dreg:$0x1];
	s9 =	simm.s32 $0x5  }
0x3: {  	s10 =	simm.s32 $0x3200;
	s11 =	simm.s32 $0x80;
	s12 =	simm.s32 $0x9600  }
0x4: {  	s17 =	simm.s32 $0x10;
	s18 =	simm.s32 $0x3380;
	s19 =	simm.s32 $0xF600  }
0x5: {  	s20 =	simm.s32 $0xFA00;
	s21 =	simm.s32 $0x11A00;
	s22 =	simm.s32 $0x13A00  }
0x6: {  	s23 =	simm.s32 $0x15A00;
	s24 =	simm.s32 $0x1;
	s25 =	simm.s32 $0xC800  }
0x7: {  	s28 =	simm.s32 $0x12C00;
	s29 =	simm.s32 $0x3;
	s30 =	simm.s32 $0x4  }
0x8: {  	s31 =	simm.s32 $0x0;
	s1 =	sand.u32 $0x1, s1;
	s4 =	sshll.u32 s3, $0x1  }
0x9: {  	s3 =	simm.s32 $0x0;
	s5 =	sadd.s32 $0x800, s0;
	s7 =	sor.u32 s1, s4  }
0xa: {  	[smem:$0x7FF] =	sst s3;
	s1 =	ssub.s32 $0x2, s1;
	s4 =	smul.u32 $0xC80, s7  }
0xb: {  	_ =	strace $0x80000047;
	s8 =	sshrl.u32 s1, $0x1;
	s7 =	sshll.u32 s7, $0x7  }
0xc: {  	s26 =	ssub.s32 s1, s8;
	s6 =	sadd.s32 s4, s0;
	s4 =	sadd.s32 $0x1A000, s0  }
0xd: {  	s8 =	smax.u32 s26, $0x1;
	s26 =	simm.s32 $0x2;
	s6 =	sadd.s32 $0x1000, s6  }
.LBB2_1:
0xe: {  	[tilespmem:s3], [sflag:$0x5] =	stream.linear.gather [hbm4b:s5+s3], $0x3200, $0x38;
	[tilespmem:$0x15E00] =	vst v63  }
0xf: {  	_ =	swait.ge [sflag:s9], $0x3200  }
0x10: {  	[sflag:s9] =	ssyncset.done $0x0  }
0x11: {  	[sflag:s9] =	ssyncadd.s32 $0xFFFFCE00  }
0x12: {  	[tilespmem:s10], [sflag:$0x5] =	stream.linear.gather [hbm4b:s6+s3], $0x6400, $0x38;
	[tilespmem:$0x15E00] =	vst v63  }
0x13: {  	_ =	swait.ge [sflag:s9], $0x6400  }
0x14: {  	[sflag:s9] =	ssyncset.done $0x0  }
0x15: {  	[sflag:s9] =	ssyncadd.s32 $0xFFFF9C00  }
0x16: {  	[tilespmem:s12], [sflag:$0x1] =	stream.indirect.gather [hbm4b:s4+s11], $0x40, s10, s11, $0xb8;
	[tilespmem:$0x15E00] =	vst v63  }
0x17: {  	s0 =	simm.s32 $0x3280;
	s1 =	simm.s32 $0xB600  }
0x18: {  	[tilespmem:s1], [sflag:$0x1] =	stream.indirect.gather [hbm4b:s4+s11], $0x40, s0, s11, $0xb8;
	[tilespmem:$0x15E00] =	vst v63  }
0x19: {  	s15 =	simm.s32 $0x3300;
	s16 =	simm.s32 $0xD600  }
0x1a: {  	[tilespmem:s16], [sflag:$0x1] =	stream.indirect.gather [hbm4b:s4+s11], $0x40, s15, s11, $0xb8;
	[tilespmem:$0x15E00] =	vst v63  }
0x1b: {  	s1 =	simm.s32 $0x0  }
0x1c: {  	[tilespmem:s19], [sflag:$0x1] =	stream.indirect.gather [hbm4b:s4+s17], $0x40, s18, s17, $0xb8;
	[tilespmem:$0x15E00] =	vst v63  }
.LBB2_2:
0x1d: {  	p0 =	seq.s32 s1, $0x0  }
0x1e: {  	s13 =	simm.s32 @!p0 $0x4  }
0x1f: {  	s0 =	sshll.u32 s1, $0x1;
	_ =	swait.ge @!p0 [sflag:s13], $0x3200  }
0x20: {  	s0 =	sor.u32 $0x1, s0;
	[sflag:s13] =	ssyncset.done @!p0 $0x0  }
0x21: {  	s14 =	smul.u32 $0x640, s0;
	[sflag:s13] =	ssyncadd.s32 @!p0 $0xFFFFCE00  }
0x22: {  	_ =	swait.ge @!p0 [sflag:s13], $0x3200  }
0x23: {  	s14 =	sshra.s32 s14, $0x2;
	[sflag:s13] =	ssyncset.done @!p0 $0x0  }
0x24: {  	s15 =	sadd.s32 $0x3200, s14;
	[sflag:s13] =	ssyncadd.s32 @!p0 $0xFFFFCE00  }
0x25: {  	[tilespmem:s20], [sflag:$0x2] =	stream.indirect.gather [hbm4b:s4+s11], $0x40, s15, s11, $0xb8;
	[tilespmem:$0x15E00] =	vst v63  }
0x26: {  	s16 =	sadd.s32 $0x3280, s14  }
0x27: {  	[tilespmem:s21], [sflag:$0x2] =	stream.indirect.gather [hbm4b:s4+s11], $0x40, s16, s11, $0xb8;
	[tilespmem:$0x15E00] =	vst v63  }
0x28: {  	s15 =	sadd.s32 $0x3300, s14  }
0x29: {  	[tilespmem:s22], [sflag:$0x2] =	stream.indirect.gather [hbm4b:s4+s11], $0x40, s15, s11, $0xb8;
	[tilespmem:$0x15E00] =	vst v63  }
0x2a: {  	s16 =	sadd.s32 $0x3380, s14  }
0x2b: {  	[tilespmem:s23], [sflag:$0x2] =	stream.indirect.gather [hbm4b:s4+s17], $0x40, s16, s17, $0xb8;
	[tilespmem:$0x15E00] =	vst v63  }
0x2c: {  	_ =	swait.ge [sflag:s24], $0x6400  }
0x2d: {  	[sflag:s24] =	ssyncset.done $0x0  }
0x2e: {  	s13 =	simm.s32 $0x0;
	[sflag:s24] =	ssyncadd.s32 $0xFFFF9C00  }
0x2f: {  	v0 =	vld [tilespmem:s13+$0x30]  }
0x30: {  	v1 =	vld [tilespmem:s13+$0x0];
	_ =	sdelay $0x1  }
0x31: {  	v2 =	vld [tilespmem:s13+$0x10]  }
0x32: {  	v3 =	vld [tilespmem:s13+$0x20]  }
0x33: {  	[tilespmem:s13+$0xC830] =	vst.add.f32.msk $0xffff, v0  }
0x34: {  	[tilespmem:s13+$0x9600] =	vst.add.f32.msk $0xffff, v1  }
0x35: {  	[tilespmem:s13+$0xC800] =	vst.add.f32.msk $0xffff, v1  }
0x36: {  	[tilespmem:s13+$0x9610] =	vst.add.f32.msk $0xffff, v2  }
0x37: {  	[tilespmem:s13+$0xC810] =	vst.add.f32.msk $0xffff, v2  }
0x38: {  	[tilespmem:s13+$0x9620] =	vst.add.f32.msk $0xffff, v3  }
0x39: {  	s14 =	simm.s32 $0x40;
	s15 =	simm.s32 $0x200;
	[tilespmem:s13+$0xC820] =	vst.add.f32.msk $0xffff, v3  }
.LBB2_3:
0x3a: {  	p0 =	sne.s32 s15, $0xC700;
	v1 =	vld [tilespmem:s14+$0x30]  }
0x3b: {  	v2 =	vld [tilespmem:s14+$0x0]  }
0x3c: {  	v3 =	vld [tilespmem:s14+$0x10]  }
0x3d: {  	v4 =	vld [tilespmem:s14+$0x20]  }
0x3e: {  	[tilespmem:s13+$0x9630] =	vst.add.f32.msk $0xffff, v0;
	s13 =	smov.u32 s14  }
0x3f: {  	[tilespmem:s13+$0xC830] =	vst.add.f32.msk $0xffff, v1;
	v0 =	vmov v1  }
0x40: {  	[tilespmem:s13+$0x9600] =	vst.add.f32.msk $0xffff, v2  }
.Ltmp0:
0x41: {  	[tilespmem:s13+$0xC800] =	vst.add.f32.msk $0xffff, v2;
	(pc) =	sbr.rel @p0 .LBB2_3-.Ltmp0, $4  }
0x42: {  	[tilespmem:s13+$0x9610] =	vst.add.f32.msk $0xffff, v3  }
0x43: {  	[tilespmem:s13+$0xC810] =	vst.add.f32.msk $0xffff, v3  }
0x44: {  	[tilespmem:s13+$0x9620] =	vst.add.f32.msk $0xffff, v4  }
0x45: {  	s14 =	sshra.s32 s15, $0x2;
	s15 =	sadd.s32 $0x100, s15;
	[tilespmem:s13+$0xC820] =	vst.add.f32.msk $0xffff, v4  }
0x46: {  	v1 =	vld [tilespmem:s14+$0x30]  }
0x47: {  	v2 =	vld [tilespmem:s14+$0x0]  }
0x48: {  	v3 =	vld [tilespmem:s14+$0x10]  }
0x49: {  	v4 =	vld [tilespmem:s14+$0x20]  }
0x4a: {  	[tilespmem:s13+$0x9630] =	vst.add.f32.msk $0xffff, v0  }
0x4b: {  	[tilespmem:s14+$0xC830] =	vst.add.f32.msk $0xffff, v1  }
0x4c: {  	s15 =	sshll.u32 s1, $0x2;
	[tilespmem:s14+$0x9600] =	vst.add.f32.msk $0xffff, v2  }
0x4d: {  	s13 =	sadd.s32 s7, s15;
	[tilespmem:s14+$0xC800] =	vst.add.f32.msk $0xffff, v2  }
0x4e: {  	s15 =	smul.u32 $0x640, s13;
	[tilespmem:s14+$0x9610] =	vst.add.f32.msk $0xffff, v3  }
0x4f: {  	s13 =	smul.u32 $0x3200, s13;
	[tilespmem:s14+$0xC810] =	vst.add.f32.msk $0xffff, v3  }
0x50: {  	[tilespmem:s14+$0x9620] =	vst.add.f32.msk $0xffff, v4  }
0x51: {  	s13 =	sshrl.u32 s13, $0x3;
	[tilespmem:s14+$0xC820] =	vst.add.f32.msk $0xffff, v4  }
0x52: {  	s16 =	sadd.s32 s2, s15;
	[tilespmem:s14+$0x9630] =	vst.add.f32.msk $0xffff, v1;
	s13 =	sadd.s32 s2, s13  }
0x53: {  	[hbm4b:s16+s3] =	stream.linear.scatter [tilespmem:s12], [sflag:$0x3], $0x3200, $0x38;
	[tilespmem:$0x15E00] =	vst v63  }
0x54: {  	p0 =	seq.s32 s1, $0x1F;
	s13 =	sadd.s32 $0x640, s13  }
0x55: {  	[hbm4b:s13+s3] =	stream.linear.scatter [tilespmem:s25], [sflag:$0x3], $0x3200, $0x38;
	[tilespmem:$0x15E00] =	vst v63  }
0x56: {  	s13 =	simm.s32 @!p0 $0x3  }
0x57: {  	_ =	swait.ge @!p0 [sflag:s13], $0x3200  }
0x58: {  	[sflag:s13] =	ssyncset.done @!p0 $0x0  }
0x59: {  	[sflag:s13] =	ssyncadd.s32 @!p0 $0xFFFFCE00  }
0x5a: {  	s14 =	smul.u32 @!p0 $0xC80, s1;
	_ =	swait.ge @!p0 [sflag:s13], $0x3200  }
0x5b: {  	[sflag:s13] =	ssyncset.done @!p0 $0x0  }
0x5c: {  	[sflag:s13] =	ssyncadd.s32 @!p0 $0xFFFFCE00;
	s13 =	sshra.s32 @!p0 s14, $0x2  }
0x5d: {  	s15 =	simm.s32 @!p0 $0x80;
	s16 =	simm.s32 @!p0 $0x9600;
	s14 =	sadd.s32 @!p0 $0x3520, s13  }
0x5e: {  	[tilespmem:s16], [sflag:$0x1] =	stream.indirect.gather @!p0 [hbm4b:s4+s15], $0x40, s14, s15, $0xb8;
	[tilespmem:$0x15E00] =	vst v63  }
0x5f: {  	s14 =	sadd.s32 @!p0 $0x35A0, s13;
	s16 =	simm.s32 @!p0 $0xB600  }
0x60: {  	[tilespmem:s16], [sflag:$0x1] =	stream.indirect.gather @!p0 [hbm4b:s4+s15], $0x40, s14, s15, $0xb8;
	[tilespmem:$0x15E00] =	vst v63  }
0x61: {  	s14 =	sadd.s32 @!p0 $0x3620, s13;
	s16 =	simm.s32 @!p0 $0xD600  }
0x62: {  	[tilespmem:s16], [sflag:$0x1] =	stream.indirect.gather @!p0 [hbm4b:s4+s15], $0x40, s14, s15, $0xb8;
	[tilespmem:$0x15E00] =	vst v63  }
0x63: {  	s13 =	sadd.s32 @!p0 $0x36A0, s13;
	s14 =	simm.s32 @!p0 $0x10;
	s15 =	simm.s32 @!p0 $0xF600  }
0x64: {  	[tilespmem:s15], [sflag:$0x1] =	stream.indirect.gather @!p0 [hbm4b:s4+s14], $0x40, s13, s14, $0xb8;
	[tilespmem:$0x15E00] =	vst v63  }
0x65: {  	_ =	swait.ge [sflag:s26], $0x6400  }
0x66: {  	[sflag:s26] =	ssyncset.done $0x0  }
0x67: {  	s13 =	simm.s32 $0x0;
	[sflag:s26] =	ssyncadd.s32 $0xFFFF9C00  }
0x68: {  	v0 =	vld [tilespmem:s13+$0x30]  }
0x69: {  	v1 =	vld [tilespmem:s13+$0x0];
	_ =	sdelay $0x1  }
0x6a: {  	v2 =	vld [tilespmem:s13+$0x10]  }
0x6b: {  	v3 =	vld [tilespmem:s13+$0x20]  }
0x6c: {  	[tilespmem:s13+$0x12C30] =	vst.add.f32.msk $0xffff, v0  }
0x6d: {  	[tilespmem:s13+$0xFA00] =	vst.add.f32.msk $0xffff, v1  }
0x6e: {  	[tilespmem:s13+$0x12C00] =	vst.add.f32.msk $0xffff, v1  }
0x6f: {  	[tilespmem:s13+$0xFA10] =	vst.add.f32.msk $0xffff, v2  }
0x70: {  	[tilespmem:s13+$0x12C10] =	vst.add.f32.msk $0xffff, v2  }
0x71: {  	[tilespmem:s13+$0xFA20] =	vst.add.f32.msk $0xffff, v3  }
0x72: {  	s14 =	simm.s32 $0x40;
	s15 =	simm.s32 $0x200;
	[tilespmem:s13+$0x12C20] =	vst.add.f32.msk $0xffff, v3  }
.LBB2_5:
0x73: {  	p0 =	sne.s32 s15, $0xC700;
	v1 =	vld [tilespmem:s14+$0x30]  }
0x74: {  	v2 =	vld [tilespmem:s14+$0x0]  }
0x75: {  	v3 =	vld [tilespmem:s14+$0x10]  }
0x76: {  	v4 =	vld [tilespmem:s14+$0x20]  }
0x77: {  	[tilespmem:s13+$0xFA30] =	vst.add.f32.msk $0xffff, v0;
	s13 =	smov.u32 s14  }
0x78: {  	[tilespmem:s13+$0x12C30] =	vst.add.f32.msk $0xffff, v1;
	v0 =	vmov v1  }
0x79: {  	[tilespmem:s13+$0xFA00] =	vst.add.f32.msk $0xffff, v2  }
.Ltmp1:
0x7a: {  	[tilespmem:s13+$0x12C00] =	vst.add.f32.msk $0xffff, v2;
	(pc) =	sbr.rel @p0 .LBB2_5-.Ltmp1, $4  }
0x7b: {  	[tilespmem:s13+$0xFA10] =	vst.add.f32.msk $0xffff, v3  }
0x7c: {  	[tilespmem:s13+$0x12C10] =	vst.add.f32.msk $0xffff, v3  }
0x7d: {  	[tilespmem:s13+$0xFA20] =	vst.add.f32.msk $0xffff, v4  }
0x7e: {  	s14 =	sshra.s32 s15, $0x2;
	s15 =	sadd.s32 $0x100, s15;
	[tilespmem:s13+$0x12C20] =	vst.add.f32.msk $0xffff, v4  }
0x7f: {  	v1 =	vld [tilespmem:s14+$0x30]  }
0x80: {  	v2 =	vld [tilespmem:s14+$0x0]  }
0x81: {  	v3 =	vld [tilespmem:s14+$0x10]  }
0x82: {  	v4 =	vld [tilespmem:s14+$0x20]  }
0x83: {  	[tilespmem:s13+$0xFA30] =	vst.add.f32.msk $0xffff, v0  }
0x84: {  	[tilespmem:s14+$0x12C30] =	vst.add.f32.msk $0xffff, v1  }
0x85: {  	s0 =	sshll.u32 s0, $0x1;
	[tilespmem:s14+$0xFA00] =	vst.add.f32.msk $0xffff, v2  }
0x86: {  	s0 =	sadd.s32 s7, s0;
	[tilespmem:s14+$0x12C00] =	vst.add.f32.msk $0xffff, v2  }
0x87: {  	s16 =	smul.u32 $0x640, s0;
	[tilespmem:s14+$0xFA10] =	vst.add.f32.msk $0xffff, v3  }
0x88: {  	s1 =	sadd.s32 $0x1, s1;
	s0 =	smul.u32 $0x3200, s0;
	[tilespmem:s14+$0x12C10] =	vst.add.f32.msk $0xffff, v3  }
0x89: {  	p0 =	sne.s32 s1, $0x20;
	[tilespmem:s14+$0xFA20] =	vst.add.f32.msk $0xffff, v4  }
.Ltmp2:
0x8a: {  	s0 =	sshrl.u32 s0, $0x3;
	[tilespmem:s14+$0x12C20] =	vst.add.f32.msk $0xffff, v4;
	(pc) =	sbr.rel @p0 .LBB2_2-.Ltmp2, $4  }
0x8b: {  	s13 =	sadd.s32 s2, s16;
	[tilespmem:s14+$0xFA30] =	vst.add.f32.msk $0xffff, v1;
	s0 =	sadd.s32 s2, s0  }
0x8c: {  	[hbm4b:s13+s3] =	stream.linear.scatter [tilespmem:s20], [sflag:$0x4], $0x3200, $0x38;
	[tilespmem:$0x15E00] =	vst v63  }
0x8d: {  	s0 =	sadd.s32 $0x640, s0  }
0x8e: {  	[hbm4b:s0+s3] =	stream.linear.scatter [tilespmem:s28], [sflag:$0x4], $0x3200, $0x38;
	[tilespmem:$0x15E00] =	vst v63  }
0x8f: {  	_ =	swait.ge [sflag:s29], $0x3200  }
0x90: {  	[sflag:s29] =	ssyncset.done $0x0  }
0x91: {  	[sflag:s29] =	ssyncadd.s32 $0xFFFFCE00  }
0x92: {  	_ =	swait.ge [sflag:s29], $0x3200  }
0x93: {  	[sflag:s29] =	ssyncset.done $0x0  }
0x94: {  	s31 =	sadd.s32 $0x1, s31;
	[sflag:s29] =	ssyncadd.s32 $0xFFFFCE00  }
0x95: {  	p0 =	sne.s32 s31, s8;
	_ =	swait.ge [sflag:s30], $0x3200  }
.Ltmp3:
0x96: {  	[sflag:s30] =	ssyncset.done $0x0;
	(pc) =	sbr.rel @p0 .LBB2_1-.Ltmp3, $4  }
0x97: {  	[sflag:s30] =	ssyncadd.s32 $0xFFFFCE00  }
0x98: {  	_ =	swait.ge [sflag:s30], $0x3200  }
0x99: {  	[sflag:s30] =	ssyncset.done $0x0  }
0x9a: {  	[sflag:s30] =	ssyncadd.s32 $0xFFFFCE00  }
0x9b: {  	_ =	sfence.sel $0x180000  }
0x9c: {  	[bflag:$0x0] =	sbarrier.arrive $0xFFFF  }
0x9d: {  	_ =	strace $0x90000047  }
0x9e: {  	s0 =	stileid.u32;
	[bflag:$0x2] =	sbarrier.arrive $0xFFFF  }
0x9f: {  	p0 =	sne.s32 s0, $0x0;
	s0 =	rddreg [dreg:$0x2]  }
0xa0: {  	s0 =	sadd.s32 @!p0 $0x100000, s0  }
0xa1: {  	[sflag:s0] =	ssyncadd.tile.s32 @!p0 $0x1;
	_ =	shalt  }
.Lfunc_end2:
_tile_overlayer_lowered:
.L_overlay_start_2:
0xa2: {  	(tag) =	ssettag $0x2  }
0xa3: {  	s0 =	rddreg [dreg:$0x0];
	s2 =	stileid.u32  }
0xa4: {  	s1 =	rddreg [dreg:$0x1];
	p0 =	sne.s32 s2, $0x0  }
0xa5: {  	s3 =	rddreg [dreg:$0x2];
	[bflag:$0x3] =	sbarrier.arrive $0xFFFF;
	s2 =	simm.s32 @!p0 $0x1C05  }
0xa6: {  	[timem:s3], [sflag:s2] =	dma.local @!p0 [hbm:s0], s1  }
0xa7: {  	s0 =	simm.s32 @!p0 $0x5  }
0xa8: {  	_ =	swait.ge @!p0 [sflag:s0], s1  }
0xa9: {  	s1 =	ssub.s32 @!p0 $0x0, s1;
	[sflag:s0] =	ssyncset.done @!p0 $0x0  }
0xaa: {  	[sflag:s0] =	ssyncadd.s32 @!p0 s1  }
0xab: {  	[bflag:$0x3] =	sbarrier.arrive $0xFFFF  }
0xac: {  	_ =	shalt  }

// kernel: sparse-core-data-format-call.cloned.1.call-start
scs
called_computation_lowered:
.L_overlay_start_0:
0x0: {  	s2 =	sld [smem:$0x3FD9]  }
0x1: {  	s3 =	sld [smem:$0x3FFE];
	_ =	sdelay $0x1  }
0x2: {  	s1 =	srdreg.scid  }
0x3: {  	s0 =	sand.u32 $0x1, s1  }
0x4: {  	s18 =	sshll.u32 s0, $0xA;
	s2 =	sadd.s32 s3, s2  }
0x5: {  	s2 =	sadd.s32 s2, s18  }
0x6: {  	[smem:$0x3FC5] =	sst s2  }
0x7: {  	_ = 	snop  }
0x8: {  	s2 =	sld [smem:$0x3FD0];
	(tm) =	ssettm $0x1  }
0x9: {  	s19 =	sld [smem:$0x3FFB];
	_ =	sdelay $0x3  }
0xa: {  	_ =	strace s19  }
0xb: {  	s3 =	sld [smem:$0x3FFC];
	_ =	sdelay $0x3  }
0xc: {  	_ =	strace s3  }
0xd: {  	s3 =	sld [smem:$0x3FFD];
	_ =	sdelay $0x3  }
0xe: {  	_ =	strace s3  }
0xf: {  	_ =	strace $0x8FFFFFFF  }
0x10: {  	s20 =	sld [smem:$0x3FDB];
	_ =	sdelay $0x1  }
0x11: {  	s4 =	simm.s32 $_scs_section_size  }
0x12: {  	s5 =	simm.s32 $_size__tile_overlayer_lowered;
	s6 =	simm.s32 $_tile_overlayer_lowered  }
0x13: {  	s23 =	simm.s32 $0x1BFF;
	s22 =	sshll.u32 s6, $0x1;
	s3 =	sadd.s32 s4, s20  }
0x14: {  	s7 =	simm.s32 $0x0;
	s21 =	sshll.u32 s5, $0x1;
	s5 =	sadd.s32 s22, s3  }
0x15: {  	[timem:s7], [sflag:s23] =	dma.local [hbm:s5], s21  }
0x16: {  	_ =	swait.ge [sflag:s23], s21  }
0x17: {  	s4 =	ssub.s32 $0x0, s21;
	[sflag:s23] =	ssyncset.done $0x0  }
0x18: {  	[sflag:s23] =	ssyncadd.s32 s4;
	_ =	sdelay $0x1  }
0x19: {  	s24 =	simm.s32 $0x1B8B  }
0x1a: {  	_ =	swait.ge [sflag:s24], $0x1  }
0x1b: {  	[sflag:s24] =	ssyncset.done $0x0  }
0x1c: {  	s26 =	simm.s32 $0x1B8E;
	s25 =	sld [smem:$0x3FFE];
	[sflag:s24] =	ssyncadd.s32 $0xFFFFFFFF  }
0x1d: {  	s27 =	simm.s32 $execute0_lowered;
	[smem:$0x3FD2] =	sst s26  }
0x1e: {  	s5 =	sshll.u32 s27, $0x1;
	_ =	strace $0x80000049;
	[dreg:$0x1] =	wrdreg $0xFFFFFFFF  }
0x1f: {  	s28 =	simm.s32 $_size_execute0_lowered;
	s3 =	sadd.s32 s3, s5;
	[dreg:$0x0] =	wrdreg $0x0  }
0x20: {  	s5 =	sshll.u32 s28, $0x1;
	[dreg:$0x2] =	wrdreg s3  }
0x21: {  	[dreg:$0x3] =	wrdreg s5  }
0x22: {  	[dreg:$0x4] =	wrdreg $0xC0  }
0x23: {  	_ =	task [dreg:s7], $0x5FFFF  }
0x24: {  	[dreg:$0x1] =	wrdreg $0xFFFFFFFF  }
0x25: {  	[dreg:$0x0] =	wrdreg $0x60  }
0x26: {  	[dreg:$0x2] =	wrdreg s25  }
0x27: {  	[dreg:$0x3] =	wrdreg s2  }
0x28: {  	[dreg:$0x4] =	wrdreg $0x9  }
0x29: {  	_ =	task.clear_ibuf [dreg:s7], $0x5FFFF;
	_ =	strace $0x90000049  }
0x2a: {  	s29 =	simm.s32 $0x9;
	_ =	strace $0x8000004B  }
0x2b: {  	_ =	swait.ge [sflag:s29], $0x1  }
0x2c: {  	[sflag:s29] =	ssyncadd.s32 $0xFFFFFFFF  }
0x2d: {  	_ =	strace $0x9000004B  }
0x2e: {  	_ =	sfence  }
0x2f: {  	s30 =	sld [smem:$0x0];
	_ =	sdelay $0x2  }
0x30: {  	s31 =	sshll.u32 s1, $0xD;
	s1 =	sshrl.u32 s1, $0x2  }
0x31: {  	s3 =	sand.u32 $0x4000, s31;
	s1 =	sadd.s32 s1, s30  }
0x32: {  	s0 =	sor.u32 s3, s0;
	s1 =	sshll.u32 s1, $0x11  }
0x33: {  	s0 =	sor.u32 s1, s0  }
0x34: {  	s0 =	sadd.s32 $0x8F2B, s0  }
0x35: {  	[sflag:s0] =	ssyncadd.remote.s32 $0x1  }
0x36: {  	_ =	sfence.sel $0xFFFF  }
0x37: {  	[dreg:$0x0] =	wrdreg $0xFFFFFFFF;
	(pc) =	sbr.abs _section_cstart, $3  }
0x38: {  	[dreg:$0x1] =	wrdreg $0xFFFFFFFF  }
0x39: {  	_ =	task.clear_ibuf [dreg:s7], $0x2FFFF;
	_ =	strace $0x9FFFFFFF  }
0x3a: {  	(tm) =	ssettm $0x7FFFFFFF  }
0x3b: {  	_ =	shalt  }
tec
execute0_lowered:
.L_overlay_start_1:
0x0: {  	(tag) =	ssettag $0x1  }
0x1: {  	s0 =	srdreg.scid  }
0x2: {  	s1 =	sshll.u32 s0, $0x4  }
0x3: {  	s0 =	stileid.u32;
	s1 =	sand.u32 $0x10, s1  }
0x4: {  	s1 =	sor.u32 s0, s1  }
0x5: {  	s6 =	rddreg [dreg:$0x0];
	s4 =	simm.s32 $0x1;
	s2 =	sshll.u32 s1, $0x7  }
0x6: {  	s7 =	simm.s32 $0x2;
	s12 =	simm.s32 $0x0;
	s1 =	ssub.s32 $0x1000, s2  }
0x7: {  	s8 =	simm.s32 $0x8000;
	s13 =	simm.s32 $0x0;
	s3 =	sand.u32 $0xF80, s1  }
0x8: {  	s9 =	simm.s32 $0x0;
	s5 =	sshrl.u32 s1, $0xC;
	p0 =	sne.s32 s3, $0x0  }
.Ltmp0:
0x9: {  	s1 =	rddreg [dreg:$0x2];
	s4 =	simm.s32 @!p0 $0x0;
	(pc) =	sbr.rel .LBB1_1-.Ltmp0, $4  }
0xa: {  	s11 =	simm.s32 $0x0;
	s3 =	rddreg [dreg:$0x1];
	s5 =	sadd.s32 s4, s5  }
0xb: {  	_ =	strace $0x8000004A;
	s4 =	simm.s32 $0x1;
	s5 =	smul.u32 $0xC8, s5  }
0xc: {  	s6 =	sadd.s32 $0x800, s6;
	s10 =	smov.u32 s2;
	[sflag:s4] =	ssyncpa.u1 $0x0  }
0xd: {  	p0 =	por $0x0, $0x0;
	[sflag:s7] =	ssyncpa.u1 $0x0;
	s7 =	sor.u32 $0x1, s5  }
.LBB1_4:
0xe: {  	s16 =	sshll.u32 s13, $0x3;
	s17 =	sand.u32 $0x78, s13  }
0xf: {  	s30 =	sand.u32 $0x7E00, s13;
	s12 =	sshll.u32 s12, $0xF;
	s16 =	sand.u32 $0xC00, s16  }
0x10: {  	[tilespmem:s15+$0x810 ss:$0x81] =	vst.msk $0xffff, v2;
	s31 =	sand.u32 $0x7, s13;
	s16 =	sor.u32 s17, s16;
	s17 =	sadd.s32 s3, s30  }
0x11: {  	[tilespmem:s15+$0x1020 ss:$0x81] =	vst.msk $0xffff, v0;
	s13 =	sshll.u32 s31, $0x12;
	s12 =	sadd.s32 s12, s17;
	s16 =	sshrl.u32 s16, $0x3  }
0x12: {  	[tilespmem:s15+$0x0 ss:$0x81] =	vst.msk $0xffff, v1;
	s13 =	sor.u32 $0x400, s13;
	s12 =	sadd.s32 s16, s12  }
0x13: {  	[hbm4b:s12+s13] =	stream.strided.scatter [tilespmem:s14], [sflag:$0x2], $0x2000, s8, s13, $0x20;
	[tilespmem:$0x8080] =	vst v63  }
.LBB1_5:
0x14: {  	s14 =	sadd.s32 $0x1, s9  }
0x15: {  	s12 =	sadd.s32 $0x1000, s10;
	s16 =	smov.u32 s10;
	p2 =	sgt.s32 s14, $0xC7  }
0x16: {  	s16 =	smov.u32 @p2 s12  }
0x17: {  	s14 =	simm.s32 @p2 $0x0;
	p2 =	sgt.s32 s16, $0xFFF  }
0x18: {  	s16 =	smov.u32 @p2 s2;
	p2 =	sne.s32 s11, s7  }
.Ltmp1:
0x19: {  	p1 =	slt.u32 s11, $0x2;
	(pc) =	sbr.rel @!p2 .LBB1_6-.Ltmp1, $4  }
0x1a: {  	s15 =	simm.s32 @!p1 $0x2  }
0x1b: {  	s13 =	smov.u32 s10;
	p0 =	por !p0, !p0;
	_ =	swait.ge @!p1 [sflag:s15], $0x2000  }
0x1c: {  	s12 =	smov.u32 s9;
	[sflag:s15] =	ssyncset.done @!p1 $0x0;
	s9 =	smov.u32 s14  }
0x1d: {  	s11 =	sadd.s32 $0x1, s11;
	[sflag:s15] =	ssyncadd.s32 @!p1 $0xFFFFE000;
	s10 =	smov.u32 s16  }
.LBB1_1:
0x1e: {  	p1 =	sge.u32 s11, s5  }
0x1f: {  	s14 =	sand.u32 @!p1 $0x1FFFFFF, s9  }
0x20: {  	s15 =	smulhi.u32 @!p1 $0x147AE15, s14;
	_ =	sdelay $0x1  }
0x21: {  	s15 =	smul.u32 @!p1 $0xC8, s15  }
0x22: {  	s16 =	sxor.u32 @!p1 $0xFFFFFFFF, s11;
	s17 =	smul.u32 @!p1 $0xC80, s10  }
0x23: {  	s31 =	sadd.s32 $0xFFFFFFFF, s11;
	s16 =	sshll.u32 @!p1 s16, $0xD;
	s14 =	ssub.s32 @!p1 s14, s15  }
0x24: {  	s15 =	sand.u32 @!p1 $0x2000, s16;
	s16 =	sadd.s32 @!p1 s6, s17;
	s14 =	sshll.u32 @!p1 s14, $0x4  }
0x25: {  	s17 =	simm.s32 @!p1 $0x6400;
	s14 =	sadd.s32 @!p1 s14, s16;
	s16 =	simm.s32 @!p1 $0x40  }
0x26: {  	[tilespmem:s15], [sflag:$0x1] =	stream.strided.gather @!p1 [hbm4b:s14+s16], $0x2000, s17, s16, $0x38;
	[tilespmem:$0x8080] =	vst v63  }
0x27: {  	p1 =	sge.u32 s31, s5  }
.Ltmp2:
0x28: {  	_ = 	snop;
	(pc) =	sbr.rel @p1 .LBB1_5-.Ltmp2, $1  }
0x29: {  	_ =	sdelay $0x3  }
0x2a: {  	s14 =	simm.s32 $0x1  }
0x2b: {  	_ =	swait.ge [sflag:s4], $0x2000;
	s14 =	simm.s32 @!p0 $0x0  }
0x2c: {  	[sflag:s4] =	ssyncset.done $0x0;
	s15 =	sshll.u32 s14, $0xD  }
0x2d: {  	[sflag:s4] =	ssyncadd.s32 $0xFFFFE000;
	s18 =	sor.u32 $0x20, s15  }
0x2e: {  	s14 =	smul.u32 $0x8100, s14;
	v3 =	vld [tilespmem:s18+$0x10]  }
0x2f: {  	s30 =	sand.u32 $0x1, s11;
	v2 =	vld [tilespmem:s18+$0xFFFFFFF0]  }
0x30: {  	s15 =	smul.u32 $0x8100, s30;
	s14 =	sshrl.u32 s14, $0x2;
	v0 =	vld [tilespmem:s18+$0x0]  }
0x31: {  	v1 =	vld [tilespmem:s18+$0xFFFFFFE0];
	s16 =	sor.u32 $0x4000, s14  }
0x32: {  	s31 =	sshrl.u32 s15, $0x2;
	s15 =	sadd.s32 $0x0, s16  }
0x33: {  	s17 =	simm.s32 $0x4;
	s18 =	sadd.s32 $0x40, s18;
	s14 =	sor.u32 $0x4000, s31;
	[tilespmem:s15+$0x1830 ss:$0x81] =	vst.msk $0xffff, v3  }
.LBB1_3:
0x34: {  	v3 =	vld [tilespmem:s18+$0x10];
	p1 =	sne.s32 s17, $0x1FC;
	[tilespmem:s15+$0x810 ss:$0x81] =	vst.msk $0xffff, v2;
	s19 =	smov.u32 s17;
	s17 =	sadd.s32 $0x4, s17  }
.Ltmp3:
0x35: {  	v2 =	vld [tilespmem:s18+$0xFFFFFFF0];
	[tilespmem:s15+$0x1020 ss:$0x81] =	vst.msk $0xffff, v0;
	(pc) =	sbr.rel @p1 .LBB1_3-.Ltmp3, $4  }
0x36: {  	v0 =	vld [tilespmem:s18+$0x0];
	[tilespmem:s15+$0x0 ss:$0x81] =	vst.msk $0xffff, v1  }
0x37: {  	s15 =	sshra.s32 s19, $0x2;
	v1 =	vld [tilespmem:s18+$0xFFFFFFE0]  }
0x38: {  	s15 =	sadd.s32 s15, s16  }
0x39: {  	s18 =	sadd.s32 $0x40, s18;
	[tilespmem:s15+$0x1830 ss:$0x81] =	vst.msk $0xffff, v3  }
.Ltmp4:
0x3a: {  	_ = 	snop;
	(pc) =	sbr.rel .LBB1_4-.Ltmp4, $1  }
0x3b: {  	_ =	sdelay $0x3  }
.LBB1_6:
0x3c: {  	_ =	sfence.sel $0x180000  }
0x3d: {  	s2 =	simm.s32 $0x1;
	[bflag:$0x0] =	sbarrier.arrive $0xFFFF  }
0x3e: {  	s31 =	simm.s32 $0x2;
	[sflag:s2] =	ssyncpa.u1 $0x1  }
0x3f: {  	[sflag:s31] =	ssyncpa.u1 $0x1  }
0x40: {  	p0 =	sne.s32 s0, $0x0;
	_ =	strace $0x9000004A  }
0x41: {  	s0 =	sadd.s32 @!p0 $0x100000, s1;
	[bflag:$0x2] =	sbarrier.arrive $0xFFFF  }
0x42: {  	[sflag:s0] =	ssyncadd.tile.s32 @!p0 $0x1;
	_ =	shalt  }
.Lfunc_end1:
_tile_overlayer_lowered:
.L_overlay_start_2:
0x43: {  	(tag) =	ssettag $0x2  }
0x44: {  	s0 =	rddreg [dreg:$0x0];
	s2 =	stileid.u32  }
0x45: {  	s1 =	rddreg [dreg:$0x1];
	p0 =	sne.s32 s2, $0x0  }
0x46: {  	s3 =	rddreg [dreg:$0x2];
	[bflag:$0x3] =	sbarrier.arrive $0xFFFF;
	s2 =	simm.s32 @!p0 $0x1C01  }
0x47: {  	[timem:s3], [sflag:s2] =	dma.local @!p0 [hbm:s0], s1  }
0x48: {  	s0 =	simm.s32 @!p0 $0x1  }
0x49: {  	_ =	swait.ge @!p0 [sflag:s0], s1  }
0x4a: {  	s1 =	ssub.s32 @!p0 $0x0, s1;
	[sflag:s0] =	ssyncset.done @!p0 $0x0  }
0x4b: {  	[sflag:s0] =	ssyncadd.s32 @!p0 s1  }
0x4c: {  	[bflag:$0x3] =	sbarrier.arrive $0xFFFF  }
0x4d: {  	_ =	shalt  }

</sc_bundles>
